<compile_context>
chip_gen: v7x
topology: tpu7x:2x2x1
jax: 0.10.2.dev20260603
libtpu: 0.0.44.dev20260713+nightly
codegen_flags: <defaults>
</compile_context>

<pallas_src>
import jax
import jax.numpy as jnp
from jax import lax
from jax.experimental import pallas as pl
from jax.experimental.pallas import tpu as pltpu
from jax.experimental.pallas import tpu_sc as plsc

N_PIX = 8192
EMB = 1024
B = 4
B_SC = 1
B_TC = B - B_SC

NC = 2
NS = 16
NW = NC * NS

R = 16
ROWS_PER_W = N_PIX // NW
NCH = ROWS_PER_W // R

BLK = 512


def _sc_body(x_hbm, pos_hbm, out_hbm, p0, p1, xb0, xb1, si0, si1, so0, so1):
    wid = lax.axis_index("s") * NC + lax.axis_index("c")
    row_base = wid * ROWS_PER_W
    pbufs = (p0, p1)
    xbufs = (xb0, xb1)
    isems = (si0, si1)
    osems = (so0, so1)

    def in_copies(c, s):
        r0 = row_base + c * R
        return (
            pltpu.make_async_copy(pos_hbm.at[pl.ds(r0, R), :], pbufs[s], isems[s]),
            pltpu.make_async_copy(x_hbm.at[B_TC, pl.ds(r0, R), :], xbufs[s], isems[s]),
        )

    def out_copy(c, s):
        r0 = row_base + c * R
        return pltpu.make_async_copy(
            xbufs[s], out_hbm.at[pl.ds(r0, R), :], osems[s])

    def start_in(c, s):
        for cp in in_copies(c, s):
            cp.start()

    def wait_in(c, s):
        for cp in in_copies(c, s):
            cp.wait()

    def compute(s):
        pv_ref, xv_ref = pbufs[s], xbufs[s]

        def vec(i, _):
            r = i // (EMB // 16)
            off = (i % (EMB // 16)) * 16
            sl = pl.ds(off, 16)
            xv_ref[r, sl] = xv_ref[r, sl] + pv_ref[r, sl]
            return ()

        lax.fori_loop(0, R * EMB // 16, vec, (), unroll=8)

    start_in(0, 0)
    start_in(1, 1)
    wait_in(0, 0)
    compute(0)
    out_copy(0, 0).start()

    def pair(k, _):
        for s in (1, 0):
            c = 2 * k + 1 + (1 - s)
            out_copy(c - 1, 1 - s).wait()
            start_in(c + 1, 1 - s)
            wait_in(c, s)
            compute(s)
            out_copy(c, s).start()
        return ()

    lax.fori_loop(0, (NCH - 2) // 2, pair, ())

    c = NCH - 1
    out_copy(c - 1, 0).wait()
    wait_in(c, 1)
    compute(1)
    out_copy(c, 1).start()
    out_copy(c, 1).wait()


def _sc_add(x, pos_table):
    mesh = plsc.VectorSubcoreMesh(core_axis_name="c", subcore_axis_name="s")
    f = pl.kernel(
        _sc_body,
        out_type=jax.ShapeDtypeStruct((N_PIX, EMB), jnp.float32),
        mesh=mesh,
        scratch_types=[
            pltpu.VMEM((R, EMB), jnp.float32),
            pltpu.VMEM((R, EMB), jnp.float32),
            pltpu.VMEM((R, EMB), jnp.float32),
            pltpu.VMEM((R, EMB), jnp.float32),
            pltpu.SemaphoreType.DMA,
            pltpu.SemaphoreType.DMA,
            pltpu.SemaphoreType.DMA,
            pltpu.SemaphoreType.DMA,
        ],
    )
    return f(x, pos_table)


def _tc_kernel(x_ref, pos_ref, o_ref):
    o_ref[...] = x_ref[...] + pos_ref[...][None, :, :]


def _tc_add(x, pos_table):
    return pl.pallas_call(
        _tc_kernel,
        grid=(N_PIX // BLK,),
        in_specs=[
            pl.BlockSpec((B_TC, BLK, EMB), lambda i: (0, i, 0)),
            pl.BlockSpec((BLK, EMB), lambda i: (i, 0)),
        ],
        out_specs=pl.BlockSpec((B_TC, BLK, EMB), lambda i: (0, i, 0)),
        out_shape=jax.ShapeDtypeStruct((B_TC, N_PIX, EMB), jnp.float32),
    )(x, pos_table)


def kernel(x, pos_table):
    out_sc = _sc_add(x, pos_table)
    out_tc = _tc_add(x, pos_table)
    return jnp.concatenate([out_tc, out_sc[None]], axis=0)

# --- scband reference (transcript-rebuilt; emitter-appended) ---
"""Pipeline reference for scband-learned-positional-encoding-80333068304606 (READ-ONLY COPY).

The authoritative reference and input builder live on the scoring server;
editing this copy changes nothing except your own understanding.
"""

import jax, jax.numpy as jnp
import numpy as np

N_PIXELS = 8192
EMBED_DIM = 1024
BATCH = 4

def setup_inputs(seed: int = 0) -> dict:
    key = jax.random.key(seed)
    k1, k2 = jax.random.split(key)
    x = jax.random.normal(k1, (BATCH, N_PIXELS, EMBED_DIM), dtype=jnp.float32)
    pos_table = jax.random.normal(k2, (N_PIXELS, EMBED_DIM), dtype=jnp.float32) * 0.02
    return {"x": x, "pos_table": pos_table}

def reference(x, pos_table):
    positions = jnp.arange(0, N_PIXELS, dtype=jnp.int32)[None, :]  # [1, n_pixels]
    pos_embeddings = jnp.take(pos_table, positions, axis=0)        # [1, n_pixels, embed_dim]
    return x + pos_embeddings

if __name__ == "__main__":
    import jax
    _d = setup_inputs()
    print(jax.jit(kernel)(*tuple(_d.values())))

</pallas_src>

<mosaic_0001>
#map = affine_map<(d0, d1) -> (0, 0, 0)>
#map1 = affine_map<(d0, d1) -> (0, 0)>
module attributes {stable_mosaic.version = 14 : i64} {
  func.func @_sc_body(%arg0: i32, %arg1: i32, %arg2: memref<4x8192x1024xf32, #tpu.memory_space<hbm>>, %arg3: memref<8192x1024xf32, #tpu.memory_space<hbm>>, %arg4: memref<8192x1024xf32, #tpu.memory_space<hbm>>, %arg5: memref<16x1024xf32, #tpu.memory_space<vmem>>, %arg6: memref<16x1024xf32, #tpu.memory_space<vmem>>, %arg7: memref<16x1024xf32, #tpu.memory_space<vmem>>, %arg8: memref<16x1024xf32, #tpu.memory_space<vmem>>, %arg9: memref<!tpu.dma_semaphore, #tpu.memory_space<semaphore_mem>>, %arg10: memref<!tpu.dma_semaphore, #tpu.memory_space<semaphore_mem>>, %arg11: memref<!tpu.dma_semaphore, #tpu.memory_space<semaphore_mem>>, %arg12: memref<!tpu.dma_semaphore, #tpu.memory_space<semaphore_mem>>) attributes {dimension_semantics = [#tpu.dimension_semantics<core_parallel>, #tpu.dimension_semantics<subcore_parallel>], iteration_bounds = array<i64: 2, 16>, scalar_prefetch = 0 : i64, scratch_operands = 8 : i64, tpu.core_type = #tpu.core_type<sc_vector_subcore>, window_params = [{transform_indices = #map}, {transform_indices = #map1}, {transform_indices = #map1}]} {
    %mul3A = arith.constant 2 : i32
    %mul3A_0 = arith.muli %arg1, %mul3A : i32
    %add3A = arith.addi %mul3A_0, %arg0 : i32
    %mul3A_1 = arith.constant 256 : i32
    %mul3A_2 = arith.muli %add3A, %mul3A_1 : i32
    %add3A_3 = arith.constant 0 : i32
    %add3A_4 = arith.addi %mul3A_2, %add3A_3 : i32
    %dma_start3A = arith.constant 0 : i32
    %dma_start3A_5 = tpu.memref_slice %arg3[%add3A_4, %dma_start3A] : memref<8192x1024xf32, #tpu.memory_space<hbm>> -> memref<16x1024xf32, #tpu.memory_space<hbm>>
    %dma_start3A_6 = arith.constant 0 : i32
    %dma_start3A_7 = tpu.memref_slice %arg3[%add3A_4, %dma_start3A_6] : memref<8192x1024xf32, #tpu.memory_space<hbm>> -> memref<16x1024xf32, #tpu.memory_space<hbm>>
    tpu.enqueue_dma source(%dma_start3A_7 : memref<16x1024xf32, #tpu.memory_space<hbm>>) target(%arg5 : memref<16x1024xf32, #tpu.memory_space<vmem>>) target_semaphore(%arg9 : memref<!tpu.dma_semaphore, #tpu.memory_space<semaphore_mem>>)
    %dma_start3A_8 = arith.constant 3 : i32
    %dma_start3A_9 = arith.constant 0 : i32
    %dma_start3A_10 = tpu.memref_slice %arg2[%dma_start3A_8, %add3A_4, %dma_start3A_9] : memref<4x8192x1024xf32, #tpu.memory_space<hbm>> -> memref<1x16x1024xf32, #tpu.memory_space<hbm>>
    %dma_start3A_11 = tpu.memref_squeeze %dma_start3A_10 : memref<1x16x1024xf32, #tpu.memory_space<hbm>> -> memref<16x1024xf32, #tpu.memory_space<hbm>>
    %dma_start3A_12 = arith.constant 0 : i32
    %dma_start3A_13 = tpu.memref_slice %arg2[%dma_start3A_8, %add3A_4, %dma_start3A_12] : memref<4x8192x1024xf32, #tpu.memory_space<hbm>> -> memref<1x16x1024xf32, #tpu.memory_space<hbm>>
    %dma_start3A_14 = tpu.memref_squeeze %dma_start3A_13 : memref<1x16x1024xf32, #tpu.memory_space<hbm>> -> memref<16x1024xf32, #tpu.memory_space<hbm>>
    tpu.enqueue_dma source(%dma_start3A_14 : memref<16x1024xf32, #tpu.memory_space<hbm>>) target(%arg7 : memref<16x1024xf32, #tpu.memory_space<vmem>>) target_semaphore(%arg9 : memref<!tpu.dma_semaphore, #tpu.memory_space<semaphore_mem>>)
    %add3A_15 = arith.constant 16 : i32
    %add3A_16 = arith.addi %mul3A_2, %add3A_15 : i32
    %dma_start3A_17 = arith.constant 0 : i32
    %dma_start3A_18 = tpu.memref_slice %arg3[%add3A_16, %dma_start3A_17] : memref<8192x1024xf32, #tpu.memory_space<hbm>> -> memref<16x1024xf32, #tpu.memory_space<hbm>>
    %dma_start3A_19 = arith.constant 0 : i32
    %dma_start3A_20 = tpu.memref_slice %arg3[%add3A_16, %dma_start3A_19] : memref<8192x1024xf32, #tpu.memory_space<hbm>> -> memref<16x1024xf32, #tpu.memory_space<hbm>>
    tpu.enqueue_dma source(%dma_start3A_20 : memref<16x1024xf32, #tpu.memory_space<hbm>>) target(%arg6 : memref<16x1024xf32, #tpu.memory_space<vmem>>) target_semaphore(%arg10 : memref<!tpu.dma_semaphore, #tpu.memory_space<semaphore_mem>>)
    %dma_start3A_21 = arith.constant 3 : i32
    %dma_start3A_22 = arith.constant 0 : i32
    %dma_start3A_23 = tpu.memref_slice %arg2[%dma_start3A_21, %add3A_16, %dma_start3A_22] : memref<4x8192x1024xf32, #tpu.memory_space<hbm>> -> memref<1x16x1024xf32, #tpu.memory_space<hbm>>
    %dma_start3A_24 = tpu.memref_squeeze %dma_start3A_23 : memref<1x16x1024xf32, #tpu.memory_space<hbm>> -> memref<16x1024xf32, #tpu.memory_space<hbm>>
    %dma_start3A_25 = arith.constant 0 : i32
    %dma_start3A_26 = tpu.memref_slice %arg2[%dma_start3A_21, %add3A_16, %dma_start3A_25] : memref<4x8192x1024xf32, #tpu.memory_space<hbm>> -> memref<1x16x1024xf32, #tpu.memory_space<hbm>>
    %dma_start3A_27 = tpu.memref_squeeze %dma_start3A_26 : memref<1x16x1024xf32, #tpu.memory_space<hbm>> -> memref<16x1024xf32, #tpu.memory_space<hbm>>
    tpu.enqueue_dma source(%dma_start3A_27 : memref<16x1024xf32, #tpu.memory_space<hbm>>) target(%arg8 : memref<16x1024xf32, #tpu.memory_space<vmem>>) target_semaphore(%arg10 : memref<!tpu.dma_semaphore, #tpu.memory_space<semaphore_mem>>)
    %add3A_28 = arith.constant 0 : i32
    %add3A_29 = arith.addi %mul3A_2, %add3A_28 : i32
    %dma_wait3A = arith.constant 0 : i32
    %dma_wait3A_30 = tpu.memref_slice %arg3[%add3A_29, %dma_wait3A] : memref<8192x1024xf32, #tpu.memory_space<hbm>> -> memref<16x1024xf32, #tpu.memory_space<hbm>>
    %dma_wait3A_31 = arith.constant 0 : i32
    %dma_wait3A_32 = tpu.memref_slice %arg3[%add3A_29, %dma_wait3A_31] : memref<8192x1024xf32, #tpu.memory_space<hbm>> -> memref<16x1024xf32, #tpu.memory_space<hbm>>
    tpu.wait_dma2 semaphore(%arg9 : memref<!tpu.dma_semaphore, #tpu.memory_space<semaphore_mem>>) src(%dma_wait3A_32 : memref<16x1024xf32, #tpu.memory_space<hbm>>) dst(%arg5 : memref<16x1024xf32, #tpu.memory_space<vmem>>)
    %dma_wait3A_33 = arith.constant 3 : i32
    %dma_wait3A_34 = arith.constant 0 : i32
    %dma_wait3A_35 = tpu.memref_slice %arg2[%dma_wait3A_33, %add3A_29, %dma_wait3A_34] : memref<4x8192x1024xf32, #tpu.memory_space<hbm>> -> memref<1x16x1024xf32, #tpu.memory_space<hbm>>
    %dma_wait3A_36 = tpu.memref_squeeze %dma_wait3A_35 : memref<1x16x1024xf32, #tpu.memory_space<hbm>> -> memref<16x1024xf32, #tpu.memory_space<hbm>>
    %dma_wait3A_37 = arith.constant 0 : i32
    %dma_wait3A_38 = tpu.memref_slice %arg2[%dma_wait3A_33, %add3A_29, %dma_wait3A_37] : memref<4x8192x1024xf32, #tpu.memory_space<hbm>> -> memref<1x16x1024xf32, #tpu.memory_space<hbm>>
    %dma_wait3A_39 = tpu.memref_squeeze %dma_wait3A_38 : memref<1x16x1024xf32, #tpu.memory_space<hbm>> -> memref<16x1024xf32, #tpu.memory_space<hbm>>
    tpu.wait_dma2 semaphore(%arg9 : memref<!tpu.dma_semaphore, #tpu.memory_space<semaphore_mem>>) src(%dma_wait3A_39 : memref<16x1024xf32, #tpu.memory_space<hbm>>) dst(%arg7 : memref<16x1024xf32, #tpu.memory_space<vmem>>)
    %scan3A = arith.constant 0 : i32
    %scan3A_40 = arith.constant 1024 : i32
    %scan3A_41 = arith.addi %scan3A, %scan3A_40 : i32
    %scan3A_42 = arith.constant 8 : i32
    scf.for %scan3A_91 = %scan3A to %scan3A_41 step %scan3A_42  : i32 {
      %jit3A = arith.constant 64 : i32
      %div3A = arith.divsi %scan3A_91, %jit3A : i32
      %sign3A = arith.constant 0 : i32
      %sign3A_92 = arith.cmpi sgt, %scan3A_91, %sign3A : i32
      %sign3A_93 = arith.extui %sign3A_92 : i1 to i32
      %sign3A_94 = arith.constant 0 : i32
      %sign3A_95 = arith.cmpi slt, %scan3A_91, %sign3A_94 : i32
      %sign3A_96 = arith.extui %sign3A_95 : i1 to i32
      %sign3A_97 = arith.subi %sign3A_93, %sign3A_96 : i32
      %sign3A_98 = arith.constant 0 : i32
      %sign3A_99 = arith.cmpi sgt, %jit3A, %sign3A_98 : i32
      %sign3A_100 = arith.extui %sign3A_99 : i1 to i32
      %sign3A_101 = arith.constant 0 : i32
      %sign3A_102 = arith.cmpi slt, %jit3A, %sign3A_101 : i32
      %sign3A_103 = arith.extui %sign3A_102 : i1 to i32
      %sign3A_104 = arith.subi %sign3A_100, %sign3A_103 : i32
      %ne3A = arith.cmpi ne, %sign3A_97, %sign3A_104 : i32
      %rem3A = arith.remsi %scan3A_91, %jit3A : i32
      %ne3A_105 = arith.constant 0 : i32
      %ne3A_106 = arith.cmpi ne, %rem3A, %ne3A_105 : i32
      %and3A = arith.andi %ne3A, %ne3A_106 : i1
      %sub3A = arith.constant 1 : i32
      %sub3A_107 = arith.subi %div3A, %sub3A : i32
      %select_n3A = arith.select %and3A, %sub3A_107, %div3A : i32
      %jit3A_108 = arith.constant 64 : i32
      %eq3A = arith.constant 0 : i32
      %eq3A_109 = arith.cmpi eq, %jit3A_108, %eq3A : i32
      %jit3A_110 = arith.constant 1 : i32
      %select_n3A_111 = arith.select %eq3A_109, %jit3A_110, %jit3A_108 : i32
      %rem3A_112 = arith.remsi %scan3A_91, %select_n3A_111 : i32
      %ne3A_113 = arith.constant 0 : i32
      %ne3A_114 = arith.cmpi ne, %rem3A_112, %ne3A_113 : i32
      %lt3A = arith.constant 0 : i32
      %lt3A_115 = arith.cmpi slt, %rem3A_112, %lt3A : i32
      %lt3A_116 = arith.constant 0 : i32
      %lt3A_117 = arith.cmpi slt, %select_n3A_111, %lt3A_116 : i32
      %ne3A_118 = arith.xori %lt3A_115, %lt3A_117 : i1
      %and3A_119 = arith.andi %ne3A_118, %ne3A_114 : i1
      %add3A_120 = arith.addi %rem3A_112, %select_n3A_111 : i32
      %select_n3A_121 = arith.select %and3A_119, %add3A_120, %rem3A_112 : i32
      %mul3A_122 = arith.constant 16 : i32
      %mul3A_123 = arith.muli %select_n3A_121, %mul3A_122 : i32
      %get3A = arith.index_cast %select_n3A : i32 to index
      %get3A_124 = arith.index_cast %mul3A_123 : i32 to index
      %get3A_125 = tpu.vector_load %arg7[%get3A, %get3A_124] {strides = array<i32>} : memref<16x1024xf32, #tpu.memory_space<vmem>>, vector<1x16xf32>,
      %get3A_126 = vector.shape_cast %get3A_125 : vector<1x16xf32> to vector<16xf32>
      %get3A_127 = arith.index_cast %select_n3A : i32 to index
      %get3A_128 = arith.index_cast %mul3A_123 : i32 to index
      %get3A_129 = tpu.vector_load %arg5[%get3A_127, %get3A_128] {strides = array<i32>} : memref<16x1024xf32, #tpu.memory_space<vmem>>, vector<1x16xf32>,
      %get3A_130 = vector.shape_cast %get3A_129 : vector<1x16xf32> to vector<16xf32>
      %add3A_131 = arith.addf %get3A_126, %get3A_130 : vector<16xf32>
      %swap3A = arith.index_cast %select_n3A : i32 to index
      %swap3A_132 = arith.index_cast %mul3A_123 : i32 to index
      %swap3A_133 = tpu.vector_load %arg7[%swap3A, %swap3A_132] {strides = array<i32>} : memref<16x1024xf32, #tpu.memory_space<vmem>>, vector<1x16xf32>,
      %swap3A_134 = vector.shape_cast %swap3A_133 : vector<1x16xf32> to vector<16xf32>
      %swap3A_135 = vector.shape_cast %add3A_131 : vector<16xf32> to vector<1x16xf32>
      tpu.vector_store %arg7[%swap3A, %swap3A_132], %swap3A_135 {strides = array<i32>} : memref<16x1024xf32, #tpu.memory_space<vmem>>, vector<1x16xf32>,
      %scan3A_136 = arith.constant 1 : i32
      %scan3A_137 = arith.addi %scan3A_91, %scan3A_136 : i32
      %jit3A_138 = arith.constant 64 : i32
      %div3A_139 = arith.divsi %scan3A_137, %jit3A_138 : i32
      %sign3A_140 = arith.constant 0 : i32
      %sign3A_141 = arith.cmpi sgt, %scan3A_137, %sign3A_140 : i32
      %sign3A_142 = arith.extui %sign3A_141 : i1 to i32
      %sign3A_143 = arith.constant 0 : i32
      %sign3A_144 = arith.cmpi slt, %scan3A_137, %sign3A_143 : i32
      %sign3A_145 = arith.extui %sign3A_144 : i1 to i32
      %sign3A_146 = arith.subi %sign3A_142, %sign3A_145 : i32
      %sign3A_147 = arith.constant 0 : i32
      %sign3A_148 = arith.cmpi sgt, %jit3A_138, %sign3A_147 : i32
      %sign3A_149 = arith.extui %sign3A_148 : i1 to i32
      %sign3A_150 = arith.constant 0 : i32
      %sign3A_151 = arith.cmpi slt, %jit3A_138, %sign3A_150 : i32
      %sign3A_152 = arith.extui %sign3A_151 : i1 to i32
      %sign3A_153 = arith.subi %sign3A_149, %sign3A_152 : i32
      %ne3A_154 = arith.cmpi ne, %sign3A_146, %sign3A_153 : i32
      %rem3A_155 = arith.remsi %scan3A_137, %jit3A_138 : i32
      %ne3A_156 = arith.constant 0 : i32
      %ne3A_157 = arith.cmpi ne, %rem3A_155, %ne3A_156 : i32
      %and3A_158 = arith.andi %ne3A_154, %ne3A_157 : i1
      %sub3A_159 = arith.constant 1 : i32
      %sub3A_160 = arith.subi %div3A_139, %sub3A_159 : i32
      %select_n3A_161 = arith.select %and3A_158, %sub3A_160, %div3A_139 : i32
      %jit3A_162 = arith.constant 64 : i32
      %eq3A_163 = arith.constant 0 : i32
      %eq3A_164 = arith.cmpi eq, %jit3A_162, %eq3A_163 : i32
      %jit3A_165 = arith.constant 1 : i32
      %select_n3A_166 = arith.select %eq3A_164, %jit3A_165, %jit3A_162 : i32
      %rem3A_167 = arith.remsi %scan3A_137, %select_n3A_166 : i32
      %ne3A_168 = arith.constant 0 : i32
      %ne3A_169 = arith.cmpi ne, %rem3A_167, %ne3A_168 : i32
      %lt3A_170 = arith.constant 0 : i32
      %lt3A_171 = arith.cmpi slt, %rem3A_167, %lt3A_170 : i32
      %lt3A_172 = arith.constant 0 : i32
      %lt3A_173 = arith.cmpi slt, %select_n3A_166, %lt3A_172 : i32
      %ne3A_174 = arith.xori %lt3A_171, %lt3A_173 : i1
      %and3A_175 = arith.andi %ne3A_174, %ne3A_169 : i1
      %add3A_176 = arith.addi %rem3A_167, %select_n3A_166 : i32
      %select_n3A_177 = arith.select %and3A_175, %add3A_176, %rem3A_167 : i32
      %mul3A_178 = arith.constant 16 : i32
      %mul3A_179 = arith.muli %select_n3A_177, %mul3A_178 : i32
      %get3A_180 = arith.index_cast %select_n3A_161 : i32 to index
      %get3A_181 = arith.index_cast %mul3A_179 : i32 to index
      %get3A_182 = tpu.vector_load %arg7[%get3A_180, %get3A_181] {strides = array<i32>} : memref<16x1024xf32, #tpu.memory_space<vmem>>, vector<1x16xf32>,
      %get3A_183 = vector.shape_cast %get3A_182 : vector<1x16xf32> to vector<16xf32>
      %get3A_184 = arith.index_cast %select_n3A_161 : i32 to index
      %get3A_185 = arith.index_cast %mul3A_179 : i32 to index
      %get3A_186 = tpu.vector_load %arg5[%get3A_184, %get3A_185] {strides = array<i32>} : memref<16x1024xf32, #tpu.memory_space<vmem>>, vector<1x16xf32>,
      %get3A_187 = vector.shape_cast %get3A_186 : vector<1x16xf32> to vector<16xf32>
      %add3A_188 = arith.addf %get3A_183, %get3A_187 : vector<16xf32>
      %swap3A_189 = arith.index_cast %select_n3A_161 : i32 to index
      %swap3A_190 = arith.index_cast %mul3A_179 : i32 to index
      %swap3A_191 = tpu.vector_load %arg7[%swap3A_189, %swap3A_190] {strides = array<i32>} : memref<16x1024xf32, #tpu.memory_space<vmem>>, vector<1x16xf32>,
      %swap3A_192 = vector.shape_cast %swap3A_191 : vector<1x16xf32> to vector<16xf32>
      %swap3A_193 = vector.shape_cast %add3A_188 : vector<16xf32> to vector<1x16xf32>
      tpu.vector_store %arg7[%swap3A_189, %swap3A_190], %swap3A_193 {strides = array<i32>} : memref<16x1024xf32, #tpu.memory_space<vmem>>, vector<1x16xf32>,
      %scan3A_194 = arith.constant 2 : i32
      %scan3A_195 = arith.addi %scan3A_91, %scan3A_194 : i32
      %jit3A_196 = arith.constant 64 : i32
      %div3A_197 = arith.divsi %scan3A_195, %jit3A_196 : i32
      %sign3A_198 = arith.constant 0 : i32
      %sign3A_199 = arith.cmpi sgt, %scan3A_195, %sign3A_198 : i32
      %sign3A_200 = arith.extui %sign3A_199 : i1 to i32
      %sign3A_201 = arith.constant 0 : i32
      %sign3A_202 = arith.cmpi slt, %scan3A_195, %sign3A_201 : i32
      %sign3A_203 = arith.extui %sign3A_202 : i1 to i32
      %sign3A_204 = arith.subi %sign3A_200, %sign3A_203 : i32
      %sign3A_205 = arith.constant 0 : i32
      %sign3A_206 = arith.cmpi sgt, %jit3A_196, %sign3A_205 : i32
      %sign3A_207 = arith.extui %sign3A_206 : i1 to i32
      %sign3A_208 = arith.constant 0 : i32
      %sign3A_209 = arith.cmpi slt, %jit3A_196, %sign3A_208 : i32
      %sign3A_210 = arith.extui %sign3A_209 : i1 to i32
      %sign3A_211 = arith.subi %sign3A_207, %sign3A_210 : i32
      %ne3A_212 = arith.cmpi ne, %sign3A_204, %sign3A_211 : i32
      %rem3A_213 = arith.remsi %scan3A_195, %jit3A_196 : i32
      %ne3A_214 = arith.constant 0 : i32
      %ne3A_215 = arith.cmpi ne, %rem3A_213, %ne3A_214 : i32
      %and3A_216 = arith.andi %ne3A_212, %ne3A_215 : i1
      %sub3A_217 = arith.constant 1 : i32
      %sub3A_218 = arith.subi %div3A_197, %sub3A_217 : i32
      %select_n3A_219 = arith.select %and3A_216, %sub3A_218, %div3A_197 : i32
      %jit3A_220 = arith.constant 64 : i32
      %eq3A_221 = arith.constant 0 : i32
      %eq3A_222 = arith.cmpi eq, %jit3A_220, %eq3A_221 : i32
      %jit3A_223 = arith.constant 1 : i32
      %select_n3A_224 = arith.select %eq3A_222, %jit3A_223, %jit3A_220 : i32
      %rem3A_225 = arith.remsi %scan3A_195, %select_n3A_224 : i32
      %ne3A_226 = arith.constant 0 : i32
      %ne3A_227 = arith.cmpi ne, %rem3A_225, %ne3A_226 : i32
      %lt3A_228 = arith.constant 0 : i32
      %lt3A_229 = arith.cmpi slt, %rem3A_225, %lt3A_228 : i32
      %lt3A_230 = arith.constant 0 : i32
      %lt3A_231 = arith.cmpi slt, %select_n3A_224, %lt3A_230 : i32
      %ne3A_232 = arith.xori %lt3A_229, %lt3A_231 : i1
      %and3A_233 = arith.andi %ne3A_232, %ne3A_227 : i1
      %add3A_234 = arith.addi %rem3A_225, %select_n3A_224 : i32
      %select_n3A_235 = arith.select %and3A_233, %add3A_234, %rem3A_225 : i32
      %mul3A_236 = arith.constant 16 : i32
      %mul3A_237 = arith.muli %select_n3A_235, %mul3A_236 : i32
      %get3A_238 = arith.index_cast %select_n3A_219 : i32 to index
      %get3A_239 = arith.index_cast %mul3A_237 : i32 to index
      %get3A_240 = tpu.vector_load %arg7[%get3A_238, %get3A_239] {strides = array<i32>} : memref<16x1024xf32, #tpu.memory_space<vmem>>, vector<1x16xf32>,
      %get3A_241 = vector.shape_cast %get3A_240 : vector<1x16xf32> to vector<16xf32>
      %get3A_242 = arith.index_cast %select_n3A_219 : i32 to index
      %get3A_243 = arith.index_cast %mul3A_237 : i32 to index
      %get3A_244 = tpu.vector_load %arg5[%get3A_242, %get3A_243] {strides = array<i32>} : memref<16x1024xf32, #tpu.memory_space<vmem>>, vector<1x16xf32>,
      %get3A_245 = vector.shape_cast %get3A_244 : vector<1x16xf32> to vector<16xf32>
      %add3A_246 = arith.addf %get3A_241, %get3A_245 : vector<16xf32>
      %swap3A_247 = arith.index_cast %select_n3A_219 : i32 to index
      %swap3A_248 = arith.index_cast %mul3A_237 : i32 to index
      %swap3A_249 = tpu.vector_load %arg7[%swap3A_247, %swap3A_248] {strides = array<i32>} : memref<16x1024xf32, #tpu.memory_space<vmem>>, vector<1x16xf32>,
      %swap3A_250 = vector.shape_cast %swap3A_249 : vector<1x16xf32> to vector<16xf32>
      %swap3A_251 = vector.shape_cast %add3A_246 : vector<16xf32> to vector<1x16xf32>
      tpu.vector_store %arg7[%swap3A_247, %swap3A_248], %swap3A_251 {strides = array<i32>} : memref<16x1024xf32, #tpu.memory_space<vmem>>, vector<1x16xf32>,
      %scan3A_252 = arith.constant 3 : i32
      %scan3A_253 = arith.addi %scan3A_91, %scan3A_252 : i32
      %jit3A_254 = arith.constant 64 : i32
      %div3A_255 = arith.divsi %scan3A_253, %jit3A_254 : i32
      %sign3A_256 = arith.constant 0 : i32
      %sign3A_257 = arith.cmpi sgt, %scan3A_253, %sign3A_256 : i32
      %sign3A_258 = arith.extui %sign3A_257 : i1 to i32
      %sign3A_259 = arith.constant 0 : i32
      %sign3A_260 = arith.cmpi slt, %scan3A_253, %sign3A_259 : i32
      %sign3A_261 = arith.extui %sign3A_260 : i1 to i32
      %sign3A_262 = arith.subi %sign3A_258, %sign3A_261 : i32
      %sign3A_263 = arith.constant 0 : i32
      %sign3A_264 = arith.cmpi sgt, %jit3A_254, %sign3A_263 : i32
      %sign3A_265 = arith.extui %sign3A_264 : i1 to i32
      %sign3A_266 = arith.constant 0 : i32
      %sign3A_267 = arith.cmpi slt, %jit3A_254, %sign3A_266 : i32
      %sign3A_268 = arith.extui %sign3A_267 : i1 to i32
      %sign3A_269 = arith.subi %sign3A_265, %sign3A_268 : i32
      %ne3A_270 = arith.cmpi ne, %sign3A_262, %sign3A_269 : i32
      %rem3A_271 = arith.remsi %scan3A_253, %jit3A_254 : i32
      %ne3A_272 = arith.constant 0 : i32
      %ne3A_273 = arith.cmpi ne, %rem3A_271, %ne3A_272 : i32
      %and3A_274 = arith.andi %ne3A_270, %ne3A_273 : i1
      %sub3A_275 = arith.constant 1 : i32
      %sub3A_276 = arith.subi %div3A_255, %sub3A_275 : i32
      %select_n3A_277 = arith.select %and3A_274, %sub3A_276, %div3A_255 : i32
      %jit3A_278 = arith.constant 64 : i32
      %eq3A_279 = arith.constant 0 : i32
      %eq3A_280 = arith.cmpi eq, %jit3A_278, %eq3A_279 : i32
      %jit3A_281 = arith.constant 1 : i32
      %select_n3A_282 = arith.select %eq3A_280, %jit3A_281, %jit3A_278 : i32
      %rem3A_283 = arith.remsi %scan3A_253, %select_n3A_282 : i32
      %ne3A_284 = arith.constant 0 : i32
      %ne3A_285 = arith.cmpi ne, %rem3A_283, %ne3A_284 : i32
      %lt3A_286 = arith.constant 0 : i32
      %lt3A_287 = arith.cmpi slt, %rem3A_283, %lt3A_286 : i32
      %lt3A_288 = arith.constant 0 : i32
      %lt3A_289 = arith.cmpi slt, %select_n3A_282, %lt3A_288 : i32
      %ne3A_290 = arith.xori %lt3A_287, %lt3A_289 : i1
      %and3A_291 = arith.andi %ne3A_290, %ne3A_285 : i1
      %add3A_292 = arith.addi %rem3A_283, %select_n3A_282 : i32
      %select_n3A_293 = arith.select %and3A_291, %add3A_292, %rem3A_283 : i32
      %mul3A_294 = arith.constant 16 : i32
      %mul3A_295 = arith.muli %select_n3A_293, %mul3A_294 : i32
      %get3A_296 = arith.index_cast %select_n3A_277 : i32 to index
      %get3A_297 = arith.index_cast %mul3A_295 : i32 to index
      %get3A_298 = tpu.vector_load %arg7[%get3A_296, %get3A_297] {strides = array<i32>} : memref<16x1024xf32, #tpu.memory_space<vmem>>, vector<1x16xf32>,
      %get3A_299 = vector.shape_cast %get3A_298 : vector<1x16xf32> to vector<16xf32>
      %get3A_300 = arith.index_cast %select_n3A_277 : i32 to index
      %get3A_301 = arith.index_cast %mul3A_295 : i32 to index
      %get3A_302 = tpu.vector_load %arg5[%get3A_300, %get3A_301] {strides = array<i32>} : memref<16x1024xf32, #tpu.memory_space<vmem>>, vector<1x16xf32>,
      %get3A_303 = vector.shape_cast %get3A_302 : vector<1x16xf32> to vector<16xf32>
      %add3A_304 = arith.addf %get3A_299, %get3A_303 : vector<16xf32>
      %swap3A_305 = arith.index_cast %select_n3A_277 : i32 to index
      %swap3A_306 = arith.index_cast %mul3A_295 : i32 to index
      %swap3A_307 = tpu.vector_load %arg7[%swap3A_305, %swap3A_306] {strides = array<i32>} : memref<16x1024xf32, #tpu.memory_space<vmem>>, vector<1x16xf32>,
      %swap3A_308 = vector.shape_cast %swap3A_307 : vector<1x16xf32> to vector<16xf32>
      %swap3A_309 = vector.shape_cast %add3A_304 : vector<16xf32> to vector<1x16xf32>
      tpu.vector_store %arg7[%swap3A_305, %swap3A_306], %swap3A_309 {strides = array<i32>} : memref<16x1024xf32, #tpu.memory_space<vmem>>, vector<1x16xf32>,
      %scan3A_310 = arith.constant 4 : i32
      %scan3A_311 = arith.addi %scan3A_91, %scan3A_310 : i32
      %jit3A_312 = arith.constant 64 : i32
      %div3A_313 = arith.divsi %scan3A_311, %jit3A_312 : i32
      %sign3A_314 = arith.constant 0 : i32
      %sign3A_315 = arith.cmpi sgt, %scan3A_311, %sign3A_314 : i32
      %sign3A_316 = arith.extui %sign3A_315 : i1 to i32
      %sign3A_317 = arith.constant 0 : i32
      %sign3A_318 = arith.cmpi slt, %scan3A_311, %sign3A_317 : i32
      %sign3A_319 = arith.extui %sign3A_318 : i1 to i32
      %sign3A_320 = arith.subi %sign3A_316, %sign3A_319 : i32
      %sign3A_321 = arith.constant 0 : i32
      %sign3A_322 = arith.cmpi sgt, %jit3A_312, %sign3A_321 : i32
      %sign3A_323 = arith.extui %sign3A_322 : i1 to i32
      %sign3A_324 = arith.constant 0 : i32
      %sign3A_325 = arith.cmpi slt, %jit3A_312, %sign3A_324 : i32
      %sign3A_326 = arith.extui %sign3A_325 : i1 to i32
      %sign3A_327 = arith.subi %sign3A_323, %sign3A_326 : i32
      %ne3A_328 = arith.cmpi ne, %sign3A_320, %sign3A_327 : i32
      %rem3A_329 = arith.remsi %scan3A_311, %jit3A_312 : i32
      %ne3A_330 = arith.constant 0 : i32
      %ne3A_331 = arith.cmpi ne, %rem3A_329, %ne3A_330 : i32
      %and3A_332 = arith.andi %ne3A_328, %ne3A_331 : i1
      %sub3A_333 = arith.constant 1 : i32
      %sub3A_334 = arith.subi %div3A_313, %sub3A_333 : i32
      %select_n3A_335 = arith.select %and3A_332, %sub3A_334, %div3A_313 : i32
      %jit3A_336 = arith.constant 64 : i32
      %eq3A_337 = arith.constant 0 : i32
      %eq3A_338 = arith.cmpi eq, %jit3A_336, %eq3A_337 : i32
      %jit3A_339 = arith.constant 1 : i32
      %select_n3A_340 = arith.select %eq3A_338, %jit3A_339, %jit3A_336 : i32
      %rem3A_341 = arith.remsi %scan3A_311, %select_n3A_340 : i32
      %ne3A_342 = arith.constant 0 : i32
      %ne3A_343 = arith.cmpi ne, %rem3A_341, %ne3A_342 : i32
      %lt3A_344 = arith.constant 0 : i32
      %lt3A_345 = arith.cmpi slt, %rem3A_341, %lt3A_344 : i32
      %lt3A_346 = arith.constant 0 : i32
      %lt3A_347 = arith.cmpi slt, %select_n3A_340, %lt3A_346 : i32
      %ne3A_348 = arith.xori %lt3A_345, %lt3A_347 : i1
      %and3A_349 = arith.andi %ne3A_348, %ne3A_343 : i1
      %add3A_350 = arith.addi %rem3A_341, %select_n3A_340 : i32
      %select_n3A_351 = arith.select %and3A_349, %add3A_350, %rem3A_341 : i32
      %mul3A_352 = arith.constant 16 : i32
      %mul3A_353 = arith.muli %select_n3A_351, %mul3A_352 : i32
      %get3A_354 = arith.index_cast %select_n3A_335 : i32 to index
      %get3A_355 = arith.index_cast %mul3A_353 : i32 to index
      %get3A_356 = tpu.vector_load %arg7[%get3A_354, %get3A_355] {strides = array<i32>} : memref<16x1024xf32, #tpu.memory_space<vmem>>, vector<1x16xf32>,
      %get3A_357 = vector.shape_cast %get3A_356 : vector<1x16xf32> to vector<16xf32>
      %get3A_358 = arith.index_cast %select_n3A_335 : i32 to index
      %get3A_359 = arith.index_cast %mul3A_353 : i32 to index
      %get3A_360 = tpu.vector_load %arg5[%get3A_358, %get3A_359] {strides = array<i32>} : memref<16x1024xf32, #tpu.memory_space<vmem>>, vector<1x16xf32>,
      %get3A_361 = vector.shape_cast %get3A_360 : vector<1x16xf32> to vector<16xf32>
      %add3A_362 = arith.addf %get3A_357, %get3A_361 : vector<16xf32>
      %swap3A_363 = arith.index_cast %select_n3A_335 : i32 to index
      %swap3A_364 = arith.index_cast %mul3A_353 : i32 to index
      %swap3A_365 = tpu.vector_load %arg7[%swap3A_363, %swap3A_364] {strides = array<i32>} : memref<16x1024xf32, #tpu.memory_space<vmem>>, vector<1x16xf32>,
      %swap3A_366 = vector.shape_cast %swap3A_365 : vector<1x16xf32> to vector<16xf32>
      %swap3A_367 = vector.shape_cast %add3A_362 : vector<16xf32> to vector<1x16xf32>
      tpu.vector_store %arg7[%swap3A_363, %swap3A_364], %swap3A_367 {strides = array<i32>} : memref<16x1024xf32, #tpu.memory_space<vmem>>, vector<1x16xf32>,
      %scan3A_368 = arith.constant 5 : i32
      %scan3A_369 = arith.addi %scan3A_91, %scan3A_368 : i32
      %jit3A_370 = arith.constant 64 : i32
      %div3A_371 = arith.divsi %scan3A_369, %jit3A_370 : i32
      %sign3A_372 = arith.constant 0 : i32
      %sign3A_373 = arith.cmpi sgt, %scan3A_369, %sign3A_372 : i32
      %sign3A_374 = arith.extui %sign3A_373 : i1 to i32
      %sign3A_375 = arith.constant 0 : i32
      %sign3A_376 = arith.cmpi slt, %scan3A_369, %sign3A_375 : i32
      %sign3A_377 = arith.extui %sign3A_376 : i1 to i32
      %sign3A_378 = arith.subi %sign3A_374, %sign3A_377 : i32
      %sign3A_379 = arith.constant 0 : i32
      %sign3A_380 = arith.cmpi sgt, %jit3A_370, %sign3A_379 : i32
      %sign3A_381 = arith.extui %sign3A_380 : i1 to i32
      %sign3A_382 = arith.constant 0 : i32
      %sign3A_383 = arith.cmpi slt, %jit3A_370, %sign3A_382 : i32
      %sign3A_384 = arith.extui %sign3A_383 : i1 to i32
      %sign3A_385 = arith.subi %sign3A_381, %sign3A_384 : i32
      %ne3A_386 = arith.cmpi ne, %sign3A_378, %sign3A_385 : i32
      %rem3A_387 = arith.remsi %scan3A_369, %jit3A_370 : i32
      %ne3A_388 = arith.constant 0 : i32
      %ne3A_389 = arith.cmpi ne, %rem3A_387, %ne3A_388 : i32
      %and3A_390 = arith.andi %ne3A_386, %ne3A_389 : i1
      %sub3A_391 = arith.constant 1 : i32
      %sub3A_392 = arith.subi %div3A_371, %sub3A_391 : i32
      %select_n3A_393 = arith.select %and3A_390, %sub3A_392, %div3A_371 : i32
      %jit3A_394 = arith.constant 64 : i32
      %eq3A_395 = arith.constant 0 : i32
      %eq3A_396 = arith.cmpi eq, %jit3A_394, %eq3A_395 : i32
      %jit3A_397 = arith.constant 1 : i32
      %select_n3A_398 = arith.select %eq3A_396, %jit3A_397, %jit3A_394 : i32
      %rem3A_399 = arith.remsi %scan3A_369, %select_n3A_398 : i32
      %ne3A_400 = arith.constant 0 : i32
      %ne3A_401 = arith.cmpi ne, %rem3A_399, %ne3A_400 : i32
      %lt3A_402 = arith.constant 0 : i32
      %lt3A_403 = arith.cmpi slt, %rem3A_399, %lt3A_402 : i32
      %lt3A_404 = arith.constant 0 : i32
      %lt3A_405 = arith.cmpi slt, %select_n3A_398, %lt3A_404 : i32
      %ne3A_406 = arith.xori %lt3A_403, %lt3A_405 : i1
      %and3A_407 = arith.andi %ne3A_406, %ne3A_401 : i1
      %add3A_408 = arith.addi %rem3A_399, %select_n3A_398 : i32
      %select_n3A_409 = arith.select %and3A_407, %add3A_408, %rem3A_399 : i32
      %mul3A_410 = arith.constant 16 : i32
      %mul3A_411 = arith.muli %select_n3A_409, %mul3A_410 : i32
      %get3A_412 = arith.index_cast %select_n3A_393 : i32 to index
      %get3A_413 = arith.index_cast %mul3A_411 : i32 to index
      %get3A_414 = tpu.vector_load %arg7[%get3A_412, %get3A_413] {strides = array<i32>} : memref<16x1024xf32, #tpu.memory_space<vmem>>, vector<1x16xf32>,
      %get3A_415 = vector.shape_cast %get3A_414 : vector<1x16xf32> to vector<16xf32>
      %get3A_416 = arith.index_cast %select_n3A_393 : i32 to index
      %get3A_417 = arith.index_cast %mul3A_411 : i32 to index
      %get3A_418 = tpu.vector_load %arg5[%get3A_416, %get3A_417] {strides = array<i32>} : memref<16x1024xf32, #tpu.memory_space<vmem>>, vector<1x16xf32>,
      %get3A_419 = vector.shape_cast %get3A_418 : vector<1x16xf32> to vector<16xf32>
      %add3A_420 = arith.addf %get3A_415, %get3A_419 : vector<16xf32>
      %swap3A_421 = arith.index_cast %select_n3A_393 : i32 to index
      %swap3A_422 = arith.index_cast %mul3A_411 : i32 to index
      %swap3A_423 = tpu.vector_load %arg7[%swap3A_421, %swap3A_422] {strides = array<i32>} : memref<16x1024xf32, #tpu.memory_space<vmem>>, vector<1x16xf32>,
      %swap3A_424 = vector.shape_cast %swap3A_423 : vector<1x16xf32> to vector<16xf32>
      %swap3A_425 = vector.shape_cast %add3A_420 : vector<16xf32> to vector<1x16xf32>
      tpu.vector_store %arg7[%swap3A_421, %swap3A_422], %swap3A_425 {strides = array<i32>} : memref<16x1024xf32, #tpu.memory_space<vmem>>, vector<1x16xf32>,
      %scan3A_426 = arith.constant 6 : i32
      %scan3A_427 = arith.addi %scan3A_91, %scan3A_426 : i32
      %jit3A_428 = arith.constant 64 : i32
      %div3A_429 = arith.divsi %scan3A_427, %jit3A_428 : i32
      %sign3A_430 = arith.constant 0 : i32
      %sign3A_431 = arith.cmpi sgt, %scan3A_427, %sign3A_430 : i32
      %sign3A_432 = arith.extui %sign3A_431 : i1 to i32
      %sign3A_433 = arith.constant 0 : i32
      %sign3A_434 = arith.cmpi slt, %scan3A_427, %sign3A_433 : i32
      %sign3A_435 = arith.extui %sign3A_434 : i1 to i32
      %sign3A_436 = arith.subi %sign3A_432, %sign3A_435 : i32
      %sign3A_437 = arith.constant 0 : i32
      %sign3A_438 = arith.cmpi sgt, %jit3A_428, %sign3A_437 : i32
      %sign3A_439 = arith.extui %sign3A_438 : i1 to i32
      %sign3A_440 = arith.constant 0 : i32
      %sign3A_441 = arith.cmpi slt, %jit3A_428, %sign3A_440 : i32
      %sign3A_442 = arith.extui %sign3A_441 : i1 to i32
      %sign3A_443 = arith.subi %sign3A_439, %sign3A_442 : i32
      %ne3A_444 = arith.cmpi ne, %sign3A_436, %sign3A_443 : i32
      %rem3A_445 = arith.remsi %scan3A_427, %jit3A_428 : i32
      %ne3A_446 = arith.constant 0 : i32
      %ne3A_447 = arith.cmpi ne, %rem3A_445, %ne3A_446 : i32
      %and3A_448 = arith.andi %ne3A_444, %ne3A_447 : i1
      %sub3A_449 = arith.constant 1 : i32
      %sub3A_450 = arith.subi %div3A_429, %sub3A_449 : i32
      %select_n3A_451 = arith.select %and3A_448, %sub3A_450, %div3A_429 : i32
      %jit3A_452 = arith.constant 64 : i32
      %eq3A_453 = arith.constant 0 : i32
      %eq3A_454 = arith.cmpi eq, %jit3A_452, %eq3A_453 : i32
      %jit3A_455 = arith.constant 1 : i32
      %select_n3A_456 = arith.select %eq3A_454, %jit3A_455, %jit3A_452 : i32
      %rem3A_457 = arith.remsi %scan3A_427, %select_n3A_456 : i32
      %ne3A_458 = arith.constant 0 : i32
      %ne3A_459 = arith.cmpi ne, %rem3A_457, %ne3A_458 : i32
      %lt3A_460 = arith.constant 0 : i32
      %lt3A_461 = arith.cmpi slt, %rem3A_457, %lt3A_460 : i32
      %lt3A_462 = arith.constant 0 : i32
      %lt3A_463 = arith.cmpi slt, %select_n3A_456, %lt3A_462 : i32
      %ne3A_464 = arith.xori %lt3A_461, %lt3A_463 : i1
      %and3A_465 = arith.andi %ne3A_464, %ne3A_459 : i1
      %add3A_466 = arith.addi %rem3A_457, %select_n3A_456 : i32
      %select_n3A_467 = arith.select %and3A_465, %add3A_466, %rem3A_457 : i32
      %mul3A_468 = arith.constant 16 : i32
      %mul3A_469 = arith.muli %select_n3A_467, %mul3A_468 : i32
      %get3A_470 = arith.index_cast %select_n3A_451 : i32 to index
      %get3A_471 = arith.index_cast %mul3A_469 : i32 to index
      %get3A_472 = tpu.vector_load %arg7[%get3A_470, %get3A_471] {strides = array<i32>} : memref<16x1024xf32, #tpu.memory_space<vmem>>, vector<1x16xf32>,
      %get3A_473 = vector.shape_cast %get3A_472 : vector<1x16xf32> to vector<16xf32>
      %get3A_474 = arith.index_cast %select_n3A_451 : i32 to index
      %get3A_475 = arith.index_cast %mul3A_469 : i32 to index
      %get3A_476 = tpu.vector_load %arg5[%get3A_474, %get3A_475] {strides = array<i32>} : memref<16x1024xf32, #tpu.memory_space<vmem>>, vector<1x16xf32>,
      %get3A_477 = vector.shape_cast %get3A_476 : vector<1x16xf32> to vector<16xf32>
      %add3A_478 = arith.addf %get3A_473, %get3A_477 : vector<16xf32>
      %swap3A_479 = arith.index_cast %select_n3A_451 : i32 to index
      %swap3A_480 = arith.index_cast %mul3A_469 : i32 to index
      %swap3A_481 = tpu.vector_load %arg7[%swap3A_479, %swap3A_480] {strides = array<i32>} : memref<16x1024xf32, #tpu.memory_space<vmem>>, vector<1x16xf32>,
      %swap3A_482 = vector.shape_cast %swap3A_481 : vector<1x16xf32> to vector<16xf32>
      %swap3A_483 = vector.shape_cast %add3A_478 : vector<16xf32> to vector<1x16xf32>
      tpu.vector_store %arg7[%swap3A_479, %swap3A_480], %swap3A_483 {strides = array<i32>} : memref<16x1024xf32, #tpu.memory_space<vmem>>, vector<1x16xf32>,
      %scan3A_484 = arith.constant 7 : i32
      %scan3A_485 = arith.addi %scan3A_91, %scan3A_484 : i32
      %jit3A_486 = arith.constant 64 : i32
      %div3A_487 = arith.divsi %scan3A_485, %jit3A_486 : i32
      %sign3A_488 = arith.constant 0 : i32
      %sign3A_489 = arith.cmpi sgt, %scan3A_485, %sign3A_488 : i32
      %sign3A_490 = arith.extui %sign3A_489 : i1 to i32
      %sign3A_491 = arith.constant 0 : i32
      %sign3A_492 = arith.cmpi slt, %scan3A_485, %sign3A_491 : i32
      %sign3A_493 = arith.extui %sign3A_492 : i1 to i32
      %sign3A_494 = arith.subi %sign3A_490, %sign3A_493 : i32
      %sign3A_495 = arith.constant 0 : i32
      %sign3A_496 = arith.cmpi sgt, %jit3A_486, %sign3A_495 : i32
      %sign3A_497 = arith.extui %sign3A_496 : i1 to i32
      %sign3A_498 = arith.constant 0 : i32
      %sign3A_499 = arith.cmpi slt, %jit3A_486, %sign3A_498 : i32
      %sign3A_500 = arith.extui %sign3A_499 : i1 to i32
      %sign3A_501 = arith.subi %sign3A_497, %sign3A_500 : i32
      %ne3A_502 = arith.cmpi ne, %sign3A_494, %sign3A_501 : i32
      %rem3A_503 = arith.remsi %scan3A_485, %jit3A_486 : i32
      %ne3A_504 = arith.constant 0 : i32
      %ne3A_505 = arith.cmpi ne, %rem3A_503, %ne3A_504 : i32
      %and3A_506 = arith.andi %ne3A_502, %ne3A_505 : i1
      %sub3A_507 = arith.constant 1 : i32
      %sub3A_508 = arith.subi %div3A_487, %sub3A_507 : i32
      %select_n3A_509 = arith.select %and3A_506, %sub3A_508, %div3A_487 : i32
      %jit3A_510 = arith.constant 64 : i32
      %eq3A_511 = arith.constant 0 : i32
      %eq3A_512 = arith.cmpi eq, %jit3A_510, %eq3A_511 : i32
      %jit3A_513 = arith.constant 1 : i32
      %select_n3A_514 = arith.select %eq3A_512, %jit3A_513, %jit3A_510 : i32
      %rem3A_515 = arith.remsi %scan3A_485, %select_n3A_514 : i32
      %ne3A_516 = arith.constant 0 : i32
      %ne3A_517 = arith.cmpi ne, %rem3A_515, %ne3A_516 : i32
      %lt3A_518 = arith.constant 0 : i32
      %lt3A_519 = arith.cmpi slt, %rem3A_515, %lt3A_518 : i32
      %lt3A_520 = arith.constant 0 : i32
      %lt3A_521 = arith.cmpi slt, %select_n3A_514, %lt3A_520 : i32
      %ne3A_522 = arith.xori %lt3A_519, %lt3A_521 : i1
      %and3A_523 = arith.andi %ne3A_522, %ne3A_517 : i1
      %add3A_524 = arith.addi %rem3A_515, %select_n3A_514 : i32
      %select_n3A_525 = arith.select %and3A_523, %add3A_524, %rem3A_515 : i32
      %mul3A_526 = arith.constant 16 : i32
      %mul3A_527 = arith.muli %select_n3A_525, %mul3A_526 : i32
      %get3A_528 = arith.index_cast %select_n3A_509 : i32 to index
      %get3A_529 = arith.index_cast %mul3A_527 : i32 to index
      %get3A_530 = tpu.vector_load %arg7[%get3A_528, %get3A_529] {strides = array<i32>} : memref<16x1024xf32, #tpu.memory_space<vmem>>, vector<1x16xf32>,
      %get3A_531 = vector.shape_cast %get3A_530 : vector<1x16xf32> to vector<16xf32>
      %get3A_532 = arith.index_cast %select_n3A_509 : i32 to index
      %get3A_533 = arith.index_cast %mul3A_527 : i32 to index
      %get3A_534 = tpu.vector_load %arg5[%get3A_532, %get3A_533] {strides = array<i32>} : memref<16x1024xf32, #tpu.memory_space<vmem>>, vector<1x16xf32>,
      %get3A_535 = vector.shape_cast %get3A_534 : vector<1x16xf32> to vector<16xf32>
      %add3A_536 = arith.addf %get3A_531, %get3A_535 : vector<16xf32>
      %swap3A_537 = arith.index_cast %select_n3A_509 : i32 to index
      %swap3A_538 = arith.index_cast %mul3A_527 : i32 to index
      %swap3A_539 = tpu.vector_load %arg7[%swap3A_537, %swap3A_538] {strides = array<i32>} : memref<16x1024xf32, #tpu.memory_space<vmem>>, vector<1x16xf32>,
      %swap3A_540 = vector.shape_cast %swap3A_539 : vector<1x16xf32> to vector<16xf32>
      %swap3A_541 = vector.shape_cast %add3A_536 : vector<16xf32> to vector<1x16xf32>
      tpu.vector_store %arg7[%swap3A_537, %swap3A_538], %swap3A_541 {strides = array<i32>} : memref<16x1024xf32, #tpu.memory_space<vmem>>, vector<1x16xf32>,
    }
    %scan3A_43 = arith.constant 1024 : i32
    %add3A_44 = arith.constant 0 : i32
    %add3A_45 = arith.addi %mul3A_2, %add3A_44 : i32
    %dma_start3A_46 = arith.constant 0 : i32
    %dma_start3A_47 = tpu.memref_slice %arg4[%add3A_45, %dma_start3A_46] : memref<8192x1024xf32, #tpu.memory_space<hbm>> -> memref<16x1024xf32, #tpu.memory_space<hbm>>
    %dma_start3A_48 = arith.constant 0 : i32
    %dma_start3A_49 = tpu.memref_slice %arg4[%add3A_45, %dma_start3A_48] : memref<8192x1024xf32, #tpu.memory_space<hbm>> -> memref<16x1024xf32, #tpu.memory_space<hbm>>
    tpu.enqueue_dma source(%arg7 : memref<16x1024xf32, #tpu.memory_space<vmem>>) target(%dma_start3A_49 : memref<16x1024xf32, #tpu.memory_space<hbm>>) target_semaphore(%arg11 : memref<!tpu.dma_semaphore, #tpu.memory_space<semaphore_mem>>)
    %scan3A_50 = arith.constant 0 : i32
    %scan3A_51 = arith.constant 7 : i32
    %scan3A_52 = arith.addi %scan3A_50, %scan3A_51 : i32
    %scan3A_53 = arith.constant 1 : i32
    scf.for %scan3A_91 = %scan3A_50 to %scan3A_52 step %scan3A_53  : i32 {
      %mul3A_92 = arith.constant 2 : i32
      %mul3A_93 = arith.muli %mul3A_92, %scan3A_91 : i32
      %add3A_94 = arith.constant 1 : i32
      %add3A_95 = arith.addi %mul3A_93, %add3A_94 : i32
      %add3A_96 = arith.constant 0 : i32
      %add3A_97 = arith.addi %add3A_95, %add3A_96 : i32
      %sub3A = arith.constant 1 : i32
      %sub3A_98 = arith.subi %add3A_97, %sub3A : i32
      %mul3A_99 = arith.constant 16 : i32
      %mul3A_100 = arith.muli %sub3A_98, %mul3A_99 : i32
      %add3A_101 = arith.addi %mul3A_2, %mul3A_100 : i32
      %dma_wait3A_102 = arith.constant 0 : i32
      %dma_wait3A_103 = tpu.memref_slice %arg4[%add3A_101, %dma_wait3A_102] : memref<8192x1024xf32, #tpu.memory_space<hbm>> -> memref<16x1024xf32, #tpu.memory_space<hbm>>
      %dma_wait3A_104 = arith.constant 0 : i32
      %dma_wait3A_105 = tpu.memref_slice %arg4[%add3A_101, %dma_wait3A_104] : memref<8192x1024xf32, #tpu.memory_space<hbm>> -> memref<16x1024xf32, #tpu.memory_space<hbm>>
      tpu.wait_dma2 semaphore(%arg11 : memref<!tpu.dma_semaphore, #tpu.memory_space<semaphore_mem>>) src(%arg7 : memref<16x1024xf32, #tpu.memory_space<vmem>>) dst(%dma_wait3A_105 : memref<16x1024xf32, #tpu.memory_space<hbm>>)
      %add3A_106 = arith.constant 1 : i32
      %add3A_107 = arith.addi %add3A_97, %add3A_106 : i32
      %mul3A_108 = arith.constant 16 : i32
      %mul3A_109 = arith.muli %add3A_107, %mul3A_108 : i32
      %add3A_110 = arith.addi %mul3A_2, %mul3A_109 : i32
      %dma_start3A_111 = arith.constant 0 : i32
      %dma_start3A_112 = tpu.memref_slice %arg3[%add3A_110, %dma_start3A_111] : memref<8192x1024xf32, #tpu.memory_space<hbm>> -> memref<16x1024xf32, #tpu.memory_space<hbm>>
      %dma_start3A_113 = arith.constant 0 : i32
      %dma_start3A_114 = tpu.memref_slice %arg3[%add3A_110, %dma_start3A_113] : memref<8192x1024xf32, #tpu.memory_space<hbm>> -> memref<16x1024xf32, #tpu.memory_space<hbm>>
      tpu.enqueue_dma source(%dma_start3A_114 : memref<16x1024xf32, #tpu.memory_space<hbm>>) target(%arg5 : memref<16x1024xf32, #tpu.memory_space<vmem>>) target_semaphore(%arg9 : memref<!tpu.dma_semaphore, #tpu.memory_space<semaphore_mem>>)
      %dma_start3A_115 = arith.constant 3 : i32
      %dma_start3A_116 = arith.constant 0 : i32
      %dma_start3A_117 = tpu.memref_slice %arg2[%dma_start3A_115, %add3A_110, %dma_start3A_116] : memref<4x8192x1024xf32, #tpu.memory_space<hbm>> -> memref<1x16x1024xf32, #tpu.memory_space<hbm>>
      %dma_start3A_118 = tpu.memref_squeeze %dma_start3A_117 : memref<1x16x1024xf32, #tpu.memory_space<hbm>> -> memref<16x1024xf32, #tpu.memory_space<hbm>>
      %dma_start3A_119 = arith.constant 0 : i32
      %dma_start3A_120 = tpu.memref_slice %arg2[%dma_start3A_115, %add3A_110, %dma_start3A_119] : memref<4x8192x1024xf32, #tpu.memory_space<hbm>> -> memref<1x16x1024xf32, #tpu.memory_space<hbm>>
      %dma_start3A_121 = tpu.memref_squeeze %dma_start3A_120 : memref<1x16x1024xf32, #tpu.memory_space<hbm>> -> memref<16x1024xf32, #tpu.memory_space<hbm>>
      tpu.enqueue_dma source(%dma_start3A_121 : memref<16x1024xf32, #tpu.memory_space<hbm>>) target(%arg7 : memref<16x1024xf32, #tpu.memory_space<vmem>>) target_semaphore(%arg9 : memref<!tpu.dma_semaphore, #tpu.memory_space<semaphore_mem>>)
      %mul3A_122 = arith.constant 16 : i32
      %mul3A_123 = arith.muli %add3A_97, %mul3A_122 : i32
      %add3A_124 = arith.addi %mul3A_2, %mul3A_123 : i32
      %dma_wait3A_125 = arith.constant 0 : i32
      %dma_wait3A_126 = tpu.memref_slice %arg3[%add3A_124, %dma_wait3A_125] : memref<8192x1024xf32, #tpu.memory_space<hbm>> -> memref<16x1024xf32, #tpu.memory_space<hbm>>
      %dma_wait3A_127 = arith.constant 0 : i32
      %dma_wait3A_128 = tpu.memref_slice %arg3[%add3A_124, %dma_wait3A_127] : memref<8192x1024xf32, #tpu.memory_space<hbm>> -> memref<16x1024xf32, #tpu.memory_space<hbm>>
      tpu.wait_dma2 semaphore(%arg10 : memref<!tpu.dma_semaphore, #tpu.memory_space<semaphore_mem>>) src(%dma_wait3A_128 : memref<16x1024xf32, #tpu.memory_space<hbm>>) dst(%arg6 : memref<16x1024xf32, #tpu.memory_space<vmem>>)
      %dma_wait3A_129 = arith.constant 3 : i32
      %dma_wait3A_130 = arith.constant 0 : i32
      %dma_wait3A_131 = tpu.memref_slice %arg2[%dma_wait3A_129, %add3A_124, %dma_wait3A_130] : memref<4x8192x1024xf32, #tpu.memory_space<hbm>> -> memref<1x16x1024xf32, #tpu.memory_space<hbm>>
      %dma_wait3A_132 = tpu.memref_squeeze %dma_wait3A_131 : memref<1x16x1024xf32, #tpu.memory_space<hbm>> -> memref<16x1024xf32, #tpu.memory_space<hbm>>
      %dma_wait3A_133 = arith.constant 0 : i32
      %dma_wait3A_134 = tpu.memref_slice %arg2[%dma_wait3A_129, %add3A_124, %dma_wait3A_133] : memref<4x8192x1024xf32, #tpu.memory_space<hbm>> -> memref<1x16x1024xf32, #tpu.memory_space<hbm>>
      %dma_wait3A_135 = tpu.memref_squeeze %dma_wait3A_134 : memref<1x16x1024xf32, #tpu.memory_space<hbm>> -> memref<16x1024xf32, #tpu.memory_space<hbm>>
      tpu.wait_dma2 semaphore(%arg10 : memref<!tpu.dma_semaphore, #tpu.memory_space<semaphore_mem>>) src(%dma_wait3A_135 : memref<16x1024xf32, #tpu.memory_space<hbm>>) dst(%arg8 : memref<16x1024xf32, #tpu.memory_space<vmem>>)
      %scan3A_136 = arith.constant 0 : i32
      %scan3A_137 = arith.constant 1024 : i32
      %scan3A_138 = arith.addi %scan3A_136, %scan3A_137 : i32
      %scan3A_139 = arith.constant 8 : i32
      scf.for %scan3A_205 = %scan3A_136 to %scan3A_138 step %scan3A_139  : i32 {
        %jit3A = arith.constant 64 : i32
        %div3A = arith.divsi %scan3A_205, %jit3A : i32
        %sign3A = arith.constant 0 : i32
        %sign3A_206 = arith.cmpi sgt, %scan3A_205, %sign3A : i32
        %sign3A_207 = arith.extui %sign3A_206 : i1 to i32
        %sign3A_208 = arith.constant 0 : i32
        %sign3A_209 = arith.cmpi slt, %scan3A_205, %sign3A_208 : i32
        %sign3A_210 = arith.extui %sign3A_209 : i1 to i32
        %sign3A_211 = arith.subi %sign3A_207, %sign3A_210 : i32
        %sign3A_212 = arith.constant 0 : i32
        %sign3A_213 = arith.cmpi sgt, %jit3A, %sign3A_212 : i32
        %sign3A_214 = arith.extui %sign3A_213 : i1 to i32
        %sign3A_215 = arith.constant 0 : i32
        %sign3A_216 = arith.cmpi slt, %jit3A, %sign3A_215 : i32
        %sign3A_217 = arith.extui %sign3A_216 : i1 to i32
        %sign3A_218 = arith.subi %sign3A_214, %sign3A_217 : i32
        %ne3A = arith.cmpi ne, %sign3A_211, %sign3A_218 : i32
        %rem3A = arith.remsi %scan3A_205, %jit3A : i32
        %ne3A_219 = arith.constant 0 : i32
        %ne3A_220 = arith.cmpi ne, %rem3A, %ne3A_219 : i32
        %and3A = arith.andi %ne3A, %ne3A_220 : i1
        %sub3A_221 = arith.constant 1 : i32
        %sub3A_222 = arith.subi %div3A, %sub3A_221 : i32
        %select_n3A = arith.select %and3A, %sub3A_222, %div3A : i32
        %jit3A_223 = arith.constant 64 : i32
        %eq3A = arith.constant 0 : i32
        %eq3A_224 = arith.cmpi eq, %jit3A_223, %eq3A : i32
        %jit3A_225 = arith.constant 1 : i32
        %select_n3A_226 = arith.select %eq3A_224, %jit3A_225, %jit3A_223 : i32
        %rem3A_227 = arith.remsi %scan3A_205, %select_n3A_226 : i32
        %ne3A_228 = arith.constant 0 : i32
        %ne3A_229 = arith.cmpi ne, %rem3A_227, %ne3A_228 : i32
        %lt3A = arith.constant 0 : i32
        %lt3A_230 = arith.cmpi slt, %rem3A_227, %lt3A : i32
        %lt3A_231 = arith.constant 0 : i32
        %lt3A_232 = arith.cmpi slt, %select_n3A_226, %lt3A_231 : i32
        %ne3A_233 = arith.xori %lt3A_230, %lt3A_232 : i1
        %and3A_234 = arith.andi %ne3A_233, %ne3A_229 : i1
        %add3A_235 = arith.addi %rem3A_227, %select_n3A_226 : i32
        %select_n3A_236 = arith.select %and3A_234, %add3A_235, %rem3A_227 : i32
        %mul3A_237 = arith.constant 16 : i32
        %mul3A_238 = arith.muli %select_n3A_236, %mul3A_237 : i32
        %get3A = arith.index_cast %select_n3A : i32 to index
        %get3A_239 = arith.index_cast %mul3A_238 : i32 to index
        %get3A_240 = tpu.vector_load %arg8[%get3A, %get3A_239] {strides = array<i32>} : memref<16x1024xf32, #tpu.memory_space<vmem>>, vector<1x16xf32>,
        %get3A_241 = vector.shape_cast %get3A_240 : vector<1x16xf32> to vector<16xf32>
        %get3A_242 = arith.index_cast %select_n3A : i32 to index
        %get3A_243 = arith.index_cast %mul3A_238 : i32 to index
        %get3A_244 = tpu.vector_load %arg6[%get3A_242, %get3A_243] {strides = array<i32>} : memref<16x1024xf32, #tpu.memory_space<vmem>>, vector<1x16xf32>,
        %get3A_245 = vector.shape_cast %get3A_244 : vector<1x16xf32> to vector<16xf32>
        %add3A_246 = arith.addf %get3A_241, %get3A_245 : vector<16xf32>
        %swap3A = arith.index_cast %select_n3A : i32 to index
        %swap3A_247 = arith.index_cast %mul3A_238 : i32 to index
        %swap3A_248 = tpu.vector_load %arg8[%swap3A, %swap3A_247] {strides = array<i32>} : memref<16x1024xf32, #tpu.memory_space<vmem>>, vector<1x16xf32>,
        %swap3A_249 = vector.shape_cast %swap3A_248 : vector<1x16xf32> to vector<16xf32>
        %swap3A_250 = vector.shape_cast %add3A_246 : vector<16xf32> to vector<1x16xf32>
        tpu.vector_store %arg8[%swap3A, %swap3A_247], %swap3A_250 {strides = array<i32>} : memref<16x1024xf32, #tpu.memory_space<vmem>>, vector<1x16xf32>,
        %scan3A_251 = arith.constant 1 : i32
        %scan3A_252 = arith.addi %scan3A_205, %scan3A_251 : i32
        %jit3A_253 = arith.constant 64 : i32
        %div3A_254 = arith.divsi %scan3A_252, %jit3A_253 : i32
        %sign3A_255 = arith.constant 0 : i32
        %sign3A_256 = arith.cmpi sgt, %scan3A_252, %sign3A_255 : i32
        %sign3A_257 = arith.extui %sign3A_256 : i1 to i32
        %sign3A_258 = arith.constant 0 : i32
        %sign3A_259 = arith.cmpi slt, %scan3A_252, %sign3A_258 : i32
        %sign3A_260 = arith.extui %sign3A_259 : i1 to i32
        %sign3A_261 = arith.subi %sign3A_257, %sign3A_260 : i32
        %sign3A_262 = arith.constant 0 : i32
        %sign3A_263 = arith.cmpi sgt, %jit3A_253, %sign3A_262 : i32
        %sign3A_264 = arith.extui %sign3A_263 : i1 to i32
        %sign3A_265 = arith.constant 0 : i32
        %sign3A_266 = arith.cmpi slt, %jit3A_253, %sign3A_265 : i32
        %sign3A_267 = arith.extui %sign3A_266 : i1 to i32
        %sign3A_268 = arith.subi %sign3A_264, %sign3A_267 : i32
        %ne3A_269 = arith.cmpi ne, %sign3A_261, %sign3A_268 : i32
        %rem3A_270 = arith.remsi %scan3A_252, %jit3A_253 : i32
        %ne3A_271 = arith.constant 0 : i32
        %ne3A_272 = arith.cmpi ne, %rem3A_270, %ne3A_271 : i32
        %and3A_273 = arith.andi %ne3A_269, %ne3A_272 : i1
        %sub3A_274 = arith.constant 1 : i32
        %sub3A_275 = arith.subi %div3A_254, %sub3A_274 : i32
        %select_n3A_276 = arith.select %and3A_273, %sub3A_275, %div3A_254 : i32
        %jit3A_277 = arith.constant 64 : i32
        %eq3A_278 = arith.constant 0 : i32
        %eq3A_279 = arith.cmpi eq, %jit3A_277, %eq3A_278 : i32
        %jit3A_280 = arith.constant 1 : i32
        %select_n3A_281 = arith.select %eq3A_279, %jit3A_280, %jit3A_277 : i32
        %rem3A_282 = arith.remsi %scan3A_252, %select_n3A_281 : i32
        %ne3A_283 = arith.constant 0 : i32
        %ne3A_284 = arith.cmpi ne, %rem3A_282, %ne3A_283 : i32
        %lt3A_285 = arith.constant 0 : i32
        %lt3A_286 = arith.cmpi slt, %rem3A_282, %lt3A_285 : i32
        %lt3A_287 = arith.constant 0 : i32
        %lt3A_288 = arith.cmpi slt, %select_n3A_281, %lt3A_287 : i32
        %ne3A_289 = arith.xori %lt3A_286, %lt3A_288 : i1
        %and3A_290 = arith.andi %ne3A_289, %ne3A_284 : i1
        %add3A_291 = arith.addi %rem3A_282, %select_n3A_281 : i32
        %select_n3A_292 = arith.select %and3A_290, %add3A_291, %rem3A_282 : i32
        %mul3A_293 = arith.constant 16 : i32
        %mul3A_294 = arith.muli %select_n3A_292, %mul3A_293 : i32
        %get3A_295 = arith.index_cast %select_n3A_276 : i32 to index
        %get3A_296 = arith.index_cast %mul3A_294 : i32 to index
        %get3A_297 = tpu.vector_load %arg8[%get3A_295, %get3A_296] {strides = array<i32>} : memref<16x1024xf32, #tpu.memory_space<vmem>>, vector<1x16xf32>,
        %get3A_298 = vector.shape_cast %get3A_297 : vector<1x16xf32> to vector<16xf32>
        %get3A_299 = arith.index_cast %select_n3A_276 : i32 to index
        %get3A_300 = arith.index_cast %mul3A_294 : i32 to index
        %get3A_301 = tpu.vector_load %arg6[%get3A_299, %get3A_300] {strides = array<i32>} : memref<16x1024xf32, #tpu.memory_space<vmem>>, vector<1x16xf32>,
        %get3A_302 = vector.shape_cast %get3A_301 : vector<1x16xf32> to vector<16xf32>
        %add3A_303 = arith.addf %get3A_298, %get3A_302 : vector<16xf32>
        %swap3A_304 = arith.index_cast %select_n3A_276 : i32 to index
        %swap3A_305 = arith.index_cast %mul3A_294 : i32 to index
        %swap3A_306 = tpu.vector_load %arg8[%swap3A_304, %swap3A_305] {strides = array<i32>} : memref<16x1024xf32, #tpu.memory_space<vmem>>, vector<1x16xf32>,
        %swap3A_307 = vector.shape_cast %swap3A_306 : vector<1x16xf32> to vector<16xf32>
        %swap3A_308 = vector.shape_cast %add3A_303 : vector<16xf32> to vector<1x16xf32>
        tpu.vector_store %arg8[%swap3A_304, %swap3A_305], %swap3A_308 {strides = array<i32>} : memref<16x1024xf32, #tpu.memory_space<vmem>>, vector<1x16xf32>,
        %scan3A_309 = arith.constant 2 : i32
        %scan3A_310 = arith.addi %scan3A_205, %scan3A_309 : i32
        %jit3A_311 = arith.constant 64 : i32
        %div3A_312 = arith.divsi %scan3A_310, %jit3A_311 : i32
        %sign3A_313 = arith.constant 0 : i32
        %sign3A_314 = arith.cmpi sgt, %scan3A_310, %sign3A_313 : i32
        %sign3A_315 = arith.extui %sign3A_314 : i1 to i32
        %sign3A_316 = arith.constant 0 : i32
        %sign3A_317 = arith.cmpi slt, %scan3A_310, %sign3A_316 : i32
        %sign3A_318 = arith.extui %sign3A_317 : i1 to i32
        %sign3A_319 = arith.subi %sign3A_315, %sign3A_318 : i32
        %sign3A_320 = arith.constant 0 : i32
        %sign3A_321 = arith.cmpi sgt, %jit3A_311, %sign3A_320 : i32
        %sign3A_322 = arith.extui %sign3A_321 : i1 to i32
        %sign3A_323 = arith.constant 0 : i32
        %sign3A_324 = arith.cmpi slt, %jit3A_311, %sign3A_323 : i32
        %sign3A_325 = arith.extui %sign3A_324 : i1 to i32
        %sign3A_326 = arith.subi %sign3A_322, %sign3A_325 : i32
        %ne3A_327 = arith.cmpi ne, %sign3A_319, %sign3A_326 : i32
        %rem3A_328 = arith.remsi %scan3A_310, %jit3A_311 : i32
        %ne3A_329 = arith.constant 0 : i32
        %ne3A_330 = arith.cmpi ne, %rem3A_328, %ne3A_329 : i32
        %and3A_331 = arith.andi %ne3A_327, %ne3A_330 : i1
        %sub3A_332 = arith.constant 1 : i32
        %sub3A_333 = arith.subi %div3A_312, %sub3A_332 : i32
        %select_n3A_334 = arith.select %and3A_331, %sub3A_333, %div3A_312 : i32
        %jit3A_335 = arith.constant 64 : i32
        %eq3A_336 = arith.constant 0 : i32
        %eq3A_337 = arith.cmpi eq, %jit3A_335, %eq3A_336 : i32
        %jit3A_338 = arith.constant 1 : i32
        %select_n3A_339 = arith.select %eq3A_337, %jit3A_338, %jit3A_335 : i32
        %rem3A_340 = arith.remsi %scan3A_310, %select_n3A_339 : i32
        %ne3A_341 = arith.constant 0 : i32
        %ne3A_342 = arith.cmpi ne, %rem3A_340, %ne3A_341 : i32
        %lt3A_343 = arith.constant 0 : i32
        %lt3A_344 = arith.cmpi slt, %rem3A_340, %lt3A_343 : i32
        %lt3A_345 = arith.constant 0 : i32
        %lt3A_346 = arith.cmpi slt, %select_n3A_339, %lt3A_345 : i32
        %ne3A_347 = arith.xori %lt3A_344, %lt3A_346 : i1
        %and3A_348 = arith.andi %ne3A_347, %ne3A_342 : i1
        %add3A_349 = arith.addi %rem3A_340, %select_n3A_339 : i32
        %select_n3A_350 = arith.select %and3A_348, %add3A_349, %rem3A_340 : i32
        %mul3A_351 = arith.constant 16 : i32
        %mul3A_352 = arith.muli %select_n3A_350, %mul3A_351 : i32
        %get3A_353 = arith.index_cast %select_n3A_334 : i32 to index
        %get3A_354 = arith.index_cast %mul3A_352 : i32 to index
        %get3A_355 = tpu.vector_load %arg8[%get3A_353, %get3A_354] {strides = array<i32>} : memref<16x1024xf32, #tpu.memory_space<vmem>>, vector<1x16xf32>,
        %get3A_356 = vector.shape_cast %get3A_355 : vector<1x16xf32> to vector<16xf32>
        %get3A_357 = arith.index_cast %select_n3A_334 : i32 to index
        %get3A_358 = arith.index_cast %mul3A_352 : i32 to index
        %get3A_359 = tpu.vector_load %arg6[%get3A_357, %get3A_358] {strides = array<i32>} : memref<16x1024xf32, #tpu.memory_space<vmem>>, vector<1x16xf32>,
        %get3A_360 = vector.shape_cast %get3A_359 : vector<1x16xf32> to vector<16xf32>
        %add3A_361 = arith.addf %get3A_356, %get3A_360 : vector<16xf32>
        %swap3A_362 = arith.index_cast %select_n3A_334 : i32 to index
        %swap3A_363 = arith.index_cast %mul3A_352 : i32 to index
        %swap3A_364 = tpu.vector_load %arg8[%swap3A_362, %swap3A_363] {strides = array<i32>} : memref<16x1024xf32, #tpu.memory_space<vmem>>, vector<1x16xf32>,
        %swap3A_365 = vector.shape_cast %swap3A_364 : vector<1x16xf32> to vector<16xf32>
        %swap3A_366 = vector.shape_cast %add3A_361 : vector<16xf32> to vector<1x16xf32>
        tpu.vector_store %arg8[%swap3A_362, %swap3A_363], %swap3A_366 {strides = array<i32>} : memref<16x1024xf32, #tpu.memory_space<vmem>>, vector<1x16xf32>,
        %scan3A_367 = arith.constant 3 : i32
        %scan3A_368 = arith.addi %scan3A_205, %scan3A_367 : i32
        %jit3A_369 = arith.constant 64 : i32
        %div3A_370 = arith.divsi %scan3A_368, %jit3A_369 : i32
        %sign3A_371 = arith.constant 0 : i32
        %sign3A_372 = arith.cmpi sgt, %scan3A_368, %sign3A_371 : i32
        %sign3A_373 = arith.extui %sign3A_372 : i1 to i32
        %sign3A_374 = arith.constant 0 : i32
        %sign3A_375 = arith.cmpi slt, %scan3A_368, %sign3A_374 : i32
        %sign3A_376 = arith.extui %sign3A_375 : i1 to i32
        %sign3A_377 = arith.subi %sign3A_373, %sign3A_376 : i32
        %sign3A_378 = arith.constant 0 : i32
        %sign3A_379 = arith.cmpi sgt, %jit3A_369, %sign3A_378 : i32
        %sign3A_380 = arith.extui %sign3A_379 : i1 to i32
        %sign3A_381 = arith.constant 0 : i32
        %sign3A_382 = arith.cmpi slt, %jit3A_369, %sign3A_381 : i32
        %sign3A_383 = arith.extui %sign3A_382 : i1 to i32
        %sign3A_384 = arith.subi %sign3A_380, %sign3A_383 : i32
        %ne3A_385 = arith.cmpi ne, %sign3A_377, %sign3A_384 : i32
        %rem3A_386 = arith.remsi %scan3A_368, %jit3A_369 : i32
        %ne3A_387 = arith.constant 0 : i32
        %ne3A_388 = arith.cmpi ne, %rem3A_386, %ne3A_387 : i32
        %and3A_389 = arith.andi %ne3A_385, %ne3A_388 : i1
        %sub3A_390 = arith.constant 1 : i32
        %sub3A_391 = arith.subi %div3A_370, %sub3A_390 : i32
        %select_n3A_392 = arith.select %and3A_389, %sub3A_391, %div3A_370 : i32
        %jit3A_393 = arith.constant 64 : i32
        %eq3A_394 = arith.constant 0 : i32
        %eq3A_395 = arith.cmpi eq, %jit3A_393, %eq3A_394 : i32
        %jit3A_396 = arith.constant 1 : i32
        %select_n3A_397 = arith.select %eq3A_395, %jit3A_396, %jit3A_393 : i32
        %rem3A_398 = arith.remsi %scan3A_368, %select_n3A_397 : i32
        %ne3A_399 = arith.constant 0 : i32
        %ne3A_400 = arith.cmpi ne, %rem3A_398, %ne3A_399 : i32
        %lt3A_401 = arith.constant 0 : i32
        %lt3A_402 = arith.cmpi slt, %rem3A_398, %lt3A_401 : i32
        %lt3A_403 = arith.constant 0 : i32
        %lt3A_404 = arith.cmpi slt, %select_n3A_397, %lt3A_403 : i32
        %ne3A_405 = arith.xori %lt3A_402, %lt3A_404 : i1
        %and3A_406 = arith.andi %ne3A_405, %ne3A_400 : i1
        %add3A_407 = arith.addi %rem3A_398, %select_n3A_397 : i32
        %select_n3A_408 = arith.select %and3A_406, %add3A_407, %rem3A_398 : i32
        %mul3A_409 = arith.constant 16 : i32
        %mul3A_410 = arith.muli %select_n3A_408, %mul3A_409 : i32
        %get3A_411 = arith.index_cast %select_n3A_392 : i32 to index
        %get3A_412 = arith.index_cast %mul3A_410 : i32 to index
        %get3A_413 = tpu.vector_load %arg8[%get3A_411, %get3A_412] {strides = array<i32>} : memref<16x1024xf32, #tpu.memory_space<vmem>>, vector<1x16xf32>,
        %get3A_414 = vector.shape_cast %get3A_413 : vector<1x16xf32> to vector<16xf32>
        %get3A_415 = arith.index_cast %select_n3A_392 : i32 to index
        %get3A_416 = arith.index_cast %mul3A_410 : i32 to index
        %get3A_417 = tpu.vector_load %arg6[%get3A_415, %get3A_416] {strides = array<i32>} : memref<16x1024xf32, #tpu.memory_space<vmem>>, vector<1x16xf32>,
        %get3A_418 = vector.shape_cast %get3A_417 : vector<1x16xf32> to vector<16xf32>
        %add3A_419 = arith.addf %get3A_414, %get3A_418 : vector<16xf32>
        %swap3A_420 = arith.index_cast %select_n3A_392 : i32 to index
        %swap3A_421 = arith.index_cast %mul3A_410 : i32 to index
        %swap3A_422 = tpu.vector_load %arg8[%swap3A_420, %swap3A_421] {strides = array<i32>} : memref<16x1024xf32, #tpu.memory_space<vmem>>, vector<1x16xf32>,
        %swap3A_423 = vector.shape_cast %swap3A_422 : vector<1x16xf32> to vector<16xf32>
        %swap3A_424 = vector.shape_cast %add3A_419 : vector<16xf32> to vector<1x16xf32>
        tpu.vector_store %arg8[%swap3A_420, %swap3A_421], %swap3A_424 {strides = array<i32>} : memref<16x1024xf32, #tpu.memory_space<vmem>>, vector<1x16xf32>,
        %scan3A_425 = arith.constant 4 : i32
        %scan3A_426 = arith.addi %scan3A_205, %scan3A_425 : i32
        %jit3A_427 = arith.constant 64 : i32
        %div3A_428 = arith.divsi %scan3A_426, %jit3A_427 : i32
        %sign3A_429 = arith.constant 0 : i32
        %sign3A_430 = arith.cmpi sgt, %scan3A_426, %sign3A_429 : i32
        %sign3A_431 = arith.extui %sign3A_430 : i1 to i32
        %sign3A_432 = arith.constant 0 : i32
        %sign3A_433 = arith.cmpi slt, %scan3A_426, %sign3A_432 : i32
        %sign3A_434 = arith.extui %sign3A_433 : i1 to i32
        %sign3A_435 = arith.subi %sign3A_431, %sign3A_434 : i32
        %sign3A_436 = arith.constant 0 : i32
        %sign3A_437 = arith.cmpi sgt, %jit3A_427, %sign3A_436 : i32
        %sign3A_438 = arith.extui %sign3A_437 : i1 to i32
        %sign3A_439 = arith.constant 0 : i32
        %sign3A_440 = arith.cmpi slt, %jit3A_427, %sign3A_439 : i32
        %sign3A_441 = arith.extui %sign3A_440 : i1 to i32
        %sign3A_442 = arith.subi %sign3A_438, %sign3A_441 : i32
        %ne3A_443 = arith.cmpi ne, %sign3A_435, %sign3A_442 : i32
        %rem3A_444 = arith.remsi %scan3A_426, %jit3A_427 : i32
        %ne3A_445 = arith.constant 0 : i32
        %ne3A_446 = arith.cmpi ne, %rem3A_444, %ne3A_445 : i32
        %and3A_447 = arith.andi %ne3A_443, %ne3A_446 : i1
        %sub3A_448 = arith.constant 1 : i32
        %sub3A_449 = arith.subi %div3A_428, %sub3A_448 : i32
        %select_n3A_450 = arith.select %and3A_447, %sub3A_449, %div3A_428 : i32
        %jit3A_451 = arith.constant 64 : i32
        %eq3A_452 = arith.constant 0 : i32
        %eq3A_453 = arith.cmpi eq, %jit3A_451, %eq3A_452 : i32
        %jit3A_454 = arith.constant 1 : i32
        %select_n3A_455 = arith.select %eq3A_453, %jit3A_454, %jit3A_451 : i32
        %rem3A_456 = arith.remsi %scan3A_426, %select_n3A_455 : i32
        %ne3A_457 = arith.constant 0 : i32
        %ne3A_458 = arith.cmpi ne, %rem3A_456, %ne3A_457 : i32
        %lt3A_459 = arith.constant 0 : i32
        %lt3A_460 = arith.cmpi slt, %rem3A_456, %lt3A_459 : i32
        %lt3A_461 = arith.constant 0 : i32
        %lt3A_462 = arith.cmpi slt, %select_n3A_455, %lt3A_461 : i32
        %ne3A_463 = arith.xori %lt3A_460, %lt3A_462 : i1
        %and3A_464 = arith.andi %ne3A_463, %ne3A_458 : i1
        %add3A_465 = arith.addi %rem3A_456, %select_n3A_455 : i32
        %select_n3A_466 = arith.select %and3A_464, %add3A_465, %rem3A_456 : i32
        %mul3A_467 = arith.constant 16 : i32
        %mul3A_468 = arith.muli %select_n3A_466, %mul3A_467 : i32
        %get3A_469 = arith.index_cast %select_n3A_450 : i32 to index
        %get3A_470 = arith.index_cast %mul3A_468 : i32 to index
        %get3A_471 = tpu.vector_load %arg8[%get3A_469, %get3A_470] {strides = array<i32>} : memref<16x1024xf32, #tpu.memory_space<vmem>>, vector<1x16xf32>,
        %get3A_472 = vector.shape_cast %get3A_471 : vector<1x16xf32> to vector<16xf32>
        %get3A_473 = arith.index_cast %select_n3A_450 : i32 to index
        %get3A_474 = arith.index_cast %mul3A_468 : i32 to index
        %get3A_475 = tpu.vector_load %arg6[%get3A_473, %get3A_474] {strides = array<i32>} : memref<16x1024xf32, #tpu.memory_space<vmem>>, vector<1x16xf32>,
        %get3A_476 = vector.shape_cast %get3A_475 : vector<1x16xf32> to vector<16xf32>
        %add3A_477 = arith.addf %get3A_472, %get3A_476 : vector<16xf32>
        %swap3A_478 = arith.index_cast %select_n3A_450 : i32 to index
        %swap3A_479 = arith.index_cast %mul3A_468 : i32 to index
        %swap3A_480 = tpu.vector_load %arg8[%swap3A_478, %swap3A_479] {strides = array<i32>} : memref<16x1024xf32, #tpu.memory_space<vmem>>, vector<1x16xf32>,
        %swap3A_481 = vector.shape_cast %swap3A_480 : vector<1x16xf32> to vector<16xf32>
        %swap3A_482 = vector.shape_cast %add3A_477 : vector<16xf32> to vector<1x16xf32>
        tpu.vector_store %arg8[%swap3A_478, %swap3A_479], %swap3A_482 {strides = array<i32>} : memref<16x1024xf32, #tpu.memory_space<vmem>>, vector<1x16xf32>,
        %scan3A_483 = arith.constant 5 : i32
        %scan3A_484 = arith.addi %scan3A_205, %scan3A_483 : i32
        %jit3A_485 = arith.constant 64 : i32
        %div3A_486 = arith.divsi %scan3A_484, %jit3A_485 : i32
        %sign3A_487 = arith.constant 0 : i32
        %sign3A_488 = arith.cmpi sgt, %scan3A_484, %sign3A_487 : i32
        %sign3A_489 = arith.extui %sign3A_488 : i1 to i32
        %sign3A_490 = arith.constant 0 : i32
        %sign3A_491 = arith.cmpi slt, %scan3A_484, %sign3A_490 : i32
        %sign3A_492 = arith.extui %sign3A_491 : i1 to i32
        %sign3A_493 = arith.subi %sign3A_489, %sign3A_492 : i32
        %sign3A_494 = arith.constant 0 : i32
        %sign3A_495 = arith.cmpi sgt, %jit3A_485, %sign3A_494 : i32
        %sign3A_496 = arith.extui %sign3A_495 : i1 to i32
        %sign3A_497 = arith.constant 0 : i32
        %sign3A_498 = arith.cmpi slt, %jit3A_485, %sign3A_497 : i32
        %sign3A_499 = arith.extui %sign3A_498 : i1 to i32
        %sign3A_500 = arith.subi %sign3A_496, %sign3A_499 : i32
        %ne3A_501 = arith.cmpi ne, %sign3A_493, %sign3A_500 : i32
        %rem3A_502 = arith.remsi %scan3A_484, %jit3A_485 : i32
        %ne3A_503 = arith.constant 0 : i32
        %ne3A_504 = arith.cmpi ne, %rem3A_502, %ne3A_503 : i32
        %and3A_505 = arith.andi %ne3A_501, %ne3A_504 : i1
        %sub3A_506 = arith.constant 1 : i32
        %sub3A_507 = arith.subi %div3A_486, %sub3A_506 : i32
        %select_n3A_508 = arith.select %and3A_505, %sub3A_507, %div3A_486 : i32
        %jit3A_509 = arith.constant 64 : i32
        %eq3A_510 = arith.constant 0 : i32
        %eq3A_511 = arith.cmpi eq, %jit3A_509, %eq3A_510 : i32
        %jit3A_512 = arith.constant 1 : i32
        %select_n3A_513 = arith.select %eq3A_511, %jit3A_512, %jit3A_509 : i32
        %rem3A_514 = arith.remsi %scan3A_484, %select_n3A_513 : i32
        %ne3A_515 = arith.constant 0 : i32
        %ne3A_516 = arith.cmpi ne, %rem3A_514, %ne3A_515 : i32
        %lt3A_517 = arith.constant 0 : i32
        %lt3A_518 = arith.cmpi slt, %rem3A_514, %lt3A_517 : i32
        %lt3A_519 = arith.constant 0 : i32
        %lt3A_520 = arith.cmpi slt, %select_n3A_513, %lt3A_519 : i32
        %ne3A_521 = arith.xori %lt3A_518, %lt3A_520 : i1
        %and3A_522 = arith.andi %ne3A_521, %ne3A_516 : i1
        %add3A_523 = arith.addi %rem3A_514, %select_n3A_513 : i32
        %select_n3A_524 = arith.select %and3A_522, %add3A_523, %rem3A_514 : i32
        %mul3A_525 = arith.constant 16 : i32
        %mul3A_526 = arith.muli %select_n3A_524, %mul3A_525 : i32
        %get3A_527 = arith.index_cast %select_n3A_508 : i32 to index
        %get3A_528 = arith.index_cast %mul3A_526 : i32 to index
        %get3A_529 = tpu.vector_load %arg8[%get3A_527, %get3A_528] {strides = array<i32>} : memref<16x1024xf32, #tpu.memory_space<vmem>>, vector<1x16xf32>,
        %get3A_530 = vector.shape_cast %get3A_529 : vector<1x16xf32> to vector<16xf32>
        %get3A_531 = arith.index_cast %select_n3A_508 : i32 to index
        %get3A_532 = arith.index_cast %mul3A_526 : i32 to index
        %get3A_533 = tpu.vector_load %arg6[%get3A_531, %get3A_532] {strides = array<i32>} : memref<16x1024xf32, #tpu.memory_space<vmem>>, vector<1x16xf32>,
        %get3A_534 = vector.shape_cast %get3A_533 : vector<1x16xf32> to vector<16xf32>
        %add3A_535 = arith.addf %get3A_530, %get3A_534 : vector<16xf32>
        %swap3A_536 = arith.index_cast %select_n3A_508 : i32 to index
        %swap3A_537 = arith.index_cast %mul3A_526 : i32 to index
        %swap3A_538 = tpu.vector_load %arg8[%swap3A_536, %swap3A_537] {strides = array<i32>} : memref<16x1024xf32, #tpu.memory_space<vmem>>, vector<1x16xf32>,
        %swap3A_539 = vector.shape_cast %swap3A_538 : vector<1x16xf32> to vector<16xf32>
        %swap3A_540 = vector.shape_cast %add3A_535 : vector<16xf32> to vector<1x16xf32>
        tpu.vector_store %arg8[%swap3A_536, %swap3A_537], %swap3A_540 {strides = array<i32>} : memref<16x1024xf32, #tpu.memory_space<vmem>>, vector<1x16xf32>,
        %scan3A_541 = arith.constant 6 : i32
        %scan3A_542 = arith.addi %scan3A_205, %scan3A_541 : i32
        %jit3A_543 = arith.constant 64 : i32
        %div3A_544 = arith.divsi %scan3A_542, %jit3A_543 : i32
        %sign3A_545 = arith.constant 0 : i32
        %sign3A_546 = arith.cmpi sgt, %scan3A_542, %sign3A_545 : i32
        %sign3A_547 = arith.extui %sign3A_546 : i1 to i32
        %sign3A_548 = arith.constant 0 : i32
        %sign3A_549 = arith.cmpi slt, %scan3A_542, %sign3A_548 : i32
        %sign3A_550 = arith.extui %sign3A_549 : i1 to i32
        %sign3A_551 = arith.subi %sign3A_547, %sign3A_550 : i32
        %sign3A_552 = arith.constant 0 : i32
        %sign3A_553 = arith.cmpi sgt, %jit3A_543, %sign3A_552 : i32
        %sign3A_554 = arith.extui %sign3A_553 : i1 to i32
        %sign3A_555 = arith.constant 0 : i32
        %sign3A_556 = arith.cmpi slt, %jit3A_543, %sign3A_555 : i32
        %sign3A_557 = arith.extui %sign3A_556 : i1 to i32
        %sign3A_558 = arith.subi %sign3A_554, %sign3A_557 : i32
        %ne3A_559 = arith.cmpi ne, %sign3A_551, %sign3A_558 : i32
        %rem3A_560 = arith.remsi %scan3A_542, %jit3A_543 : i32
        %ne3A_561 = arith.constant 0 : i32
        %ne3A_562 = arith.cmpi ne, %rem3A_560, %ne3A_561 : i32
        %and3A_563 = arith.andi %ne3A_559, %ne3A_562 : i1
        %sub3A_564 = arith.constant 1 : i32
        %sub3A_565 = arith.subi %div3A_544, %sub3A_564 : i32
        %select_n3A_566 = arith.select %and3A_563, %sub3A_565, %div3A_544 : i32
        %jit3A_567 = arith.constant 64 : i32
        %eq3A_568 = arith.constant 0 : i32
        %eq3A_569 = arith.cmpi eq, %jit3A_567, %eq3A_568 : i32
        %jit3A_570 = arith.constant 1 : i32
        %select_n3A_571 = arith.select %eq3A_569, %jit3A_570, %jit3A_567 : i32
        %rem3A_572 = arith.remsi %scan3A_542, %select_n3A_571 : i32
        %ne3A_573 = arith.constant 0 : i32
        %ne3A_574 = arith.cmpi ne, %rem3A_572, %ne3A_573 : i32
        %lt3A_575 = arith.constant 0 : i32
        %lt3A_576 = arith.cmpi slt, %rem3A_572, %lt3A_575 : i32
        %lt3A_577 = arith.constant 0 : i32
        %lt3A_578 = arith.cmpi slt, %select_n3A_571, %lt3A_577 : i32
        %ne3A_579 = arith.xori %lt3A_576, %lt3A_578 : i1
        %and3A_580 = arith.andi %ne3A_579, %ne3A_574 : i1
        %add3A_581 = arith.addi %rem3A_572, %select_n3A_571 : i32
        %select_n3A_582 = arith.select %and3A_580, %add3A_581, %rem3A_572 : i32
        %mul3A_583 = arith.constant 16 : i32
        %mul3A_584 = arith.muli %select_n3A_582, %mul3A_583 : i32
        %get3A_585 = arith.index_cast %select_n3A_566 : i32 to index
        %get3A_586 = arith.index_cast %mul3A_584 : i32 to index
        %get3A_587 = tpu.vector_load %arg8[%get3A_585, %get3A_586] {strides = array<i32>} : memref<16x1024xf32, #tpu.memory_space<vmem>>, vector<1x16xf32>,
        %get3A_588 = vector.shape_cast %get3A_587 : vector<1x16xf32> to vector<16xf32>
        %get3A_589 = arith.index_cast %select_n3A_566 : i32 to index
        %get3A_590 = arith.index_cast %mul3A_584 : i32 to index
        %get3A_591 = tpu.vector_load %arg6[%get3A_589, %get3A_590] {strides = array<i32>} : memref<16x1024xf32, #tpu.memory_space<vmem>>, vector<1x16xf32>,
        %get3A_592 = vector.shape_cast %get3A_591 : vector<1x16xf32> to vector<16xf32>
        %add3A_593 = arith.addf %get3A_588, %get3A_592 : vector<16xf32>
        %swap3A_594 = arith.index_cast %select_n3A_566 : i32 to index
        %swap3A_595 = arith.index_cast %mul3A_584 : i32 to index
        %swap3A_596 = tpu.vector_load %arg8[%swap3A_594, %swap3A_595] {strides = array<i32>} : memref<16x1024xf32, #tpu.memory_space<vmem>>, vector<1x16xf32>,
        %swap3A_597 = vector.shape_cast %swap3A_596 : vector<1x16xf32> to vector<16xf32>
        %swap3A_598 = vector.shape_cast %add3A_593 : vector<16xf32> to vector<1x16xf32>
        tpu.vector_store %arg8[%swap3A_594, %swap3A_595], %swap3A_598 {strides = array<i32>} : memref<16x1024xf32, #tpu.memory_space<vmem>>, vector<1x16xf32>,
        %scan3A_599 = arith.constant 7 : i32
        %scan3A_600 = arith.addi %scan3A_205, %scan3A_599 : i32
        %jit3A_601 = arith.constant 64 : i32
        %div3A_602 = arith.divsi %scan3A_600, %jit3A_601 : i32
        %sign3A_603 = arith.constant 0 : i32
        %sign3A_604 = arith.cmpi sgt, %scan3A_600, %sign3A_603 : i32
        %sign3A_605 = arith.extui %sign3A_604 : i1 to i32
        %sign3A_606 = arith.constant 0 : i32
        %sign3A_607 = arith.cmpi slt, %scan3A_600, %sign3A_606 : i32
        %sign3A_608 = arith.extui %sign3A_607 : i1 to i32
        %sign3A_609 = arith.subi %sign3A_605, %sign3A_608 : i32
        %sign3A_610 = arith.constant 0 : i32
        %sign3A_611 = arith.cmpi sgt, %jit3A_601, %sign3A_610 : i32
        %sign3A_612 = arith.extui %sign3A_611 : i1 to i32
        %sign3A_613 = arith.constant 0 : i32
        %sign3A_614 = arith.cmpi slt, %jit3A_601, %sign3A_613 : i32
        %sign3A_615 = arith.extui %sign3A_614 : i1 to i32
        %sign3A_616 = arith.subi %sign3A_612, %sign3A_615 : i32
        %ne3A_617 = arith.cmpi ne, %sign3A_609, %sign3A_616 : i32
        %rem3A_618 = arith.remsi %scan3A_600, %jit3A_601 : i32
        %ne3A_619 = arith.constant 0 : i32
        %ne3A_620 = arith.cmpi ne, %rem3A_618, %ne3A_619 : i32
        %and3A_621 = arith.andi %ne3A_617, %ne3A_620 : i1
        %sub3A_622 = arith.constant 1 : i32
        %sub3A_623 = arith.subi %div3A_602, %sub3A_622 : i32
        %select_n3A_624 = arith.select %and3A_621, %sub3A_623, %div3A_602 : i32
        %jit3A_625 = arith.constant 64 : i32
        %eq3A_626 = arith.constant 0 : i32
        %eq3A_627 = arith.cmpi eq, %jit3A_625, %eq3A_626 : i32
        %jit3A_628 = arith.constant 1 : i32
        %select_n3A_629 = arith.select %eq3A_627, %jit3A_628, %jit3A_625 : i32
        %rem3A_630 = arith.remsi %scan3A_600, %select_n3A_629 : i32
        %ne3A_631 = arith.constant 0 : i32
        %ne3A_632 = arith.cmpi ne, %rem3A_630, %ne3A_631 : i32
        %lt3A_633 = arith.constant 0 : i32
        %lt3A_634 = arith.cmpi slt, %rem3A_630, %lt3A_633 : i32
        %lt3A_635 = arith.constant 0 : i32
        %lt3A_636 = arith.cmpi slt, %select_n3A_629, %lt3A_635 : i32
        %ne3A_637 = arith.xori %lt3A_634, %lt3A_636 : i1
        %and3A_638 = arith.andi %ne3A_637, %ne3A_632 : i1
        %add3A_639 = arith.addi %rem3A_630, %select_n3A_629 : i32
        %select_n3A_640 = arith.select %and3A_638, %add3A_639, %rem3A_630 : i32
        %mul3A_641 = arith.constant 16 : i32
        %mul3A_642 = arith.muli %select_n3A_640, %mul3A_641 : i32
        %get3A_643 = arith.index_cast %select_n3A_624 : i32 to index
        %get3A_644 = arith.index_cast %mul3A_642 : i32 to index
        %get3A_645 = tpu.vector_load %arg8[%get3A_643, %get3A_644] {strides = array<i32>} : memref<16x1024xf32, #tpu.memory_space<vmem>>, vector<1x16xf32>,
        %get3A_646 = vector.shape_cast %get3A_645 : vector<1x16xf32> to vector<16xf32>
        %get3A_647 = arith.index_cast %select_n3A_624 : i32 to index
        %get3A_648 = arith.index_cast %mul3A_642 : i32 to index
        %get3A_649 = tpu.vector_load %arg6[%get3A_647, %get3A_648] {strides = array<i32>} : memref<16x1024xf32, #tpu.memory_space<vmem>>, vector<1x16xf32>,
        %get3A_650 = vector.shape_cast %get3A_649 : vector<1x16xf32> to vector<16xf32>
        %add3A_651 = arith.addf %get3A_646, %get3A_650 : vector<16xf32>
        %swap3A_652 = arith.index_cast %select_n3A_624 : i32 to index
        %swap3A_653 = arith.index_cast %mul3A_642 : i32 to index
        %swap3A_654 = tpu.vector_load %arg8[%swap3A_652, %swap3A_653] {strides = array<i32>} : memref<16x1024xf32, #tpu.memory_space<vmem>>, vector<1x16xf32>,
        %swap3A_655 = vector.shape_cast %swap3A_654 : vector<1x16xf32> to vector<16xf32>
        %swap3A_656 = vector.shape_cast %add3A_651 : vector<16xf32> to vector<1x16xf32>
        tpu.vector_store %arg8[%swap3A_652, %swap3A_653], %swap3A_656 {strides = array<i32>} : memref<16x1024xf32, #tpu.memory_space<vmem>>, vector<1x16xf32>,
      }
      %scan3A_140 = arith.constant 1024 : i32
      %mul3A_141 = arith.constant 16 : i32
      %mul3A_142 = arith.muli %add3A_97, %mul3A_141 : i32
      %add3A_143 = arith.addi %mul3A_2, %mul3A_142 : i32
      %dma_start3A_144 = arith.constant 0 : i32
      %dma_start3A_145 = tpu.memref_slice %arg4[%add3A_143, %dma_start3A_144] : memref<8192x1024xf32, #tpu.memory_space<hbm>> -> memref<16x1024xf32, #tpu.memory_space<hbm>>
      %dma_start3A_146 = arith.constant 0 : i32
      %dma_start3A_147 = tpu.memref_slice %arg4[%add3A_143, %dma_start3A_146] : memref<8192x1024xf32, #tpu.memory_space<hbm>> -> memref<16x1024xf32, #tpu.memory_space<hbm>>
      tpu.enqueue_dma source(%arg8 : memref<16x1024xf32, #tpu.memory_space<vmem>>) target(%dma_start3A_147 : memref<16x1024xf32, #tpu.memory_space<hbm>>) target_semaphore(%arg12 : memref<!tpu.dma_semaphore, #tpu.memory_space<semaphore_mem>>)
      %mul3A_148 = arith.constant 2 : i32
      %mul3A_149 = arith.muli %mul3A_148, %scan3A_91 : i32
      %add3A_150 = arith.constant 1 : i32
      %add3A_151 = arith.addi %mul3A_149, %add3A_150 : i32
      %add3A_152 = arith.constant 1 : i32
      %add3A_153 = arith.addi %add3A_151, %add3A_152 : i32
      %sub3A_154 = arith.constant 1 : i32
      %sub3A_155 = arith.subi %add3A_153, %sub3A_154 : i32
      %mul3A_156 = arith.constant 16 : i32
      %mul3A_157 = arith.muli %sub3A_155, %mul3A_156 : i32
      %add3A_158 = arith.addi %mul3A_2, %mul3A_157 : i32
      %dma_wait3A_159 = arith.constant 0 : i32
      %dma_wait3A_160 = tpu.memref_slice %arg4[%add3A_158, %dma_wait3A_159] : memref<8192x1024xf32, #tpu.memory_space<hbm>> -> memref<16x1024xf32, #tpu.memory_space<hbm>>
      %dma_wait3A_161 = arith.constant 0 : i32
      %dma_wait3A_162 = tpu.memref_slice %arg4[%add3A_158, %dma_wait3A_161] : memref<8192x1024xf32, #tpu.memory_space<hbm>> -> memref<16x1024xf32, #tpu.memory_space<hbm>>
      tpu.wait_dma2 semaphore(%arg12 : memref<!tpu.dma_semaphore, #tpu.memory_space<semaphore_mem>>) src(%arg8 : memref<16x1024xf32, #tpu.memory_space<vmem>>) dst(%dma_wait3A_162 : memref<16x1024xf32, #tpu.memory_space<hbm>>)
      %add3A_163 = arith.constant 1 : i32
      %add3A_164 = arith.addi %add3A_153, %add3A_163 : i32
      %mul3A_165 = arith.constant 16 : i32
      %mul3A_166 = arith.muli %add3A_164, %mul3A_165 : i32
      %add3A_167 = arith.addi %mul3A_2, %mul3A_166 : i32
      %dma_start3A_168 = arith.constant 0 : i32
      %dma_start3A_169 = tpu.memref_slice %arg3[%add3A_167, %dma_start3A_168] : memref<8192x1024xf32, #tpu.memory_space<hbm>> -> memref<16x1024xf32, #tpu.memory_space<hbm>>
      %dma_start3A_170 = arith.constant 0 : i32
      %dma_start3A_171 = tpu.memref_slice %arg3[%add3A_167, %dma_start3A_170] : memref<8192x1024xf32, #tpu.memory_space<hbm>> -> memref<16x1024xf32, #tpu.memory_space<hbm>>
      tpu.enqueue_dma source(%dma_start3A_171 : memref<16x1024xf32, #tpu.memory_space<hbm>>) target(%arg6 : memref<16x1024xf32, #tpu.memory_space<vmem>>) target_semaphore(%arg10 : memref<!tpu.dma_semaphore, #tpu.memory_space<semaphore_mem>>)
      %dma_start3A_172 = arith.constant 3 : i32
      %dma_start3A_173 = arith.constant 0 : i32
      %dma_start3A_174 = tpu.memref_slice %arg2[%dma_start3A_172, %add3A_167, %dma_start3A_173] : memref<4x8192x1024xf32, #tpu.memory_space<hbm>> -> memref<1x16x1024xf32, #tpu.memory_space<hbm>>
      %dma_start3A_175 = tpu.memref_squeeze %dma_start3A_174 : memref<1x16x1024xf32, #tpu.memory_space<hbm>> -> memref<16x1024xf32, #tpu.memory_space<hbm>>
      %dma_start3A_176 = arith.constant 0 : i32
      %dma_start3A_177 = tpu.memref_slice %arg2[%dma_start3A_172, %add3A_167, %dma_start3A_176] : memref<4x8192x1024xf32, #tpu.memory_space<hbm>> -> memref<1x16x1024xf32, #tpu.memory_space<hbm>>
      %dma_start3A_178 = tpu.memref_squeeze %dma_start3A_177 : memref<1x16x1024xf32, #tpu.memory_space<hbm>> -> memref<16x1024xf32, #tpu.memory_space<hbm>>
      tpu.enqueue_dma source(%dma_start3A_178 : memref<16x1024xf32, #tpu.memory_space<hbm>>) target(%arg8 : memref<16x1024xf32, #tpu.memory_space<vmem>>) target_semaphore(%arg10 : memref<!tpu.dma_semaphore, #tpu.memory_space<semaphore_mem>>)
      %mul3A_179 = arith.constant 16 : i32
      %mul3A_180 = arith.muli %add3A_153, %mul3A_179 : i32
      %add3A_181 = arith.addi %mul3A_2, %mul3A_180 : i32
      %dma_wait3A_182 = arith.constant 0 : i32
      %dma_wait3A_183 = tpu.memref_slice %arg3[%add3A_181, %dma_wait3A_182] : memref<8192x1024xf32, #tpu.memory_space<hbm>> -> memref<16x1024xf32, #tpu.memory_space<hbm>>
      %dma_wait3A_184 = arith.constant 0 : i32
      %dma_wait3A_185 = tpu.memref_slice %arg3[%add3A_181, %dma_wait3A_184] : memref<8192x1024xf32, #tpu.memory_space<hbm>> -> memref<16x1024xf32, #tpu.memory_space<hbm>>
      tpu.wait_dma2 semaphore(%arg9 : memref<!tpu.dma_semaphore, #tpu.memory_space<semaphore_mem>>) src(%dma_wait3A_185 : memref<16x1024xf32, #tpu.memory_space<hbm>>) dst(%arg5 : memref<16x1024xf32, #tpu.memory_space<vmem>>)
      %dma_wait3A_186 = arith.constant 3 : i32
      %dma_wait3A_187 = arith.constant 0 : i32
      %dma_wait3A_188 = tpu.memref_slice %arg2[%dma_wait3A_186, %add3A_181, %dma_wait3A_187] : memref<4x8192x1024xf32, #tpu.memory_space<hbm>> -> memref<1x16x1024xf32, #tpu.memory_space<hbm>>
      %dma_wait3A_189 = tpu.memref_squeeze %dma_wait3A_188 : memref<1x16x1024xf32, #tpu.memory_space<hbm>> -> memref<16x1024xf32, #tpu.memory_space<hbm>>
      %dma_wait3A_190 = arith.constant 0 : i32
      %dma_wait3A_191 = tpu.memref_slice %arg2[%dma_wait3A_186, %add3A_181, %dma_wait3A_190] : memref<4x8192x1024xf32, #tpu.memory_space<hbm>> -> memref<1x16x1024xf32, #tpu.memory_space<hbm>>
      %dma_wait3A_192 = tpu.memref_squeeze %dma_wait3A_191 : memref<1x16x1024xf32, #tpu.memory_space<hbm>> -> memref<16x1024xf32, #tpu.memory_space<hbm>>
      tpu.wait_dma2 semaphore(%arg9 : memref<!tpu.dma_semaphore, #tpu.memory_space<semaphore_mem>>) src(%dma_wait3A_192 : memref<16x1024xf32, #tpu.memory_space<hbm>>) dst(%arg7 : memref<16x1024xf32, #tpu.memory_space<vmem>>)
      %scan3A_193 = arith.constant 0 : i32
      %scan3A_194 = arith.constant 1024 : i32
      %scan3A_195 = arith.addi %scan3A_193, %scan3A_194 : i32
      %scan3A_196 = arith.constant 8 : i32
      scf.for %scan3A_205 = %scan3A_193 to %scan3A_195 step %scan3A_196  : i32 {
        %jit3A = arith.constant 64 : i32
        %div3A = arith.divsi %scan3A_205, %jit3A : i32
        %sign3A = arith.constant 0 : i32
        %sign3A_206 = arith.cmpi sgt, %scan3A_205, %sign3A : i32
        %sign3A_207 = arith.extui %sign3A_206 : i1 to i32
        %sign3A_208 = arith.constant 0 : i32
        %sign3A_209 = arith.cmpi slt, %scan3A_205, %sign3A_208 : i32
        %sign3A_210 = arith.extui %sign3A_209 : i1 to i32
        %sign3A_211 = arith.subi %sign3A_207, %sign3A_210 : i32
        %sign3A_212 = arith.constant 0 : i32
        %sign3A_213 = arith.cmpi sgt, %jit3A, %sign3A_212 : i32
        %sign3A_214 = arith.extui %sign3A_213 : i1 to i32
        %sign3A_215 = arith.constant 0 : i32
        %sign3A_216 = arith.cmpi slt, %jit3A, %sign3A_215 : i32
        %sign3A_217 = arith.extui %sign3A_216 : i1 to i32
        %sign3A_218 = arith.subi %sign3A_214, %sign3A_217 : i32
        %ne3A = arith.cmpi ne, %sign3A_211, %sign3A_218 : i32
        %rem3A = arith.remsi %scan3A_205, %jit3A : i32
        %ne3A_219 = arith.constant 0 : i32
        %ne3A_220 = arith.cmpi ne, %rem3A, %ne3A_219 : i32
        %and3A = arith.andi %ne3A, %ne3A_220 : i1
        %sub3A_221 = arith.constant 1 : i32
        %sub3A_222 = arith.subi %div3A, %sub3A_221 : i32
        %select_n3A = arith.select %and3A, %sub3A_222, %div3A : i32
        %jit3A_223 = arith.constant 64 : i32
        %eq3A = arith.constant 0 : i32
        %eq3A_224 = arith.cmpi eq, %jit3A_223, %eq3A : i32
        %jit3A_225 = arith.constant 1 : i32
        %select_n3A_226 = arith.select %eq3A_224, %jit3A_225, %jit3A_223 : i32
        %rem3A_227 = arith.remsi %scan3A_205, %select_n3A_226 : i32
        %ne3A_228 = arith.constant 0 : i32
        %ne3A_229 = arith.cmpi ne, %rem3A_227, %ne3A_228 : i32
        %lt3A = arith.constant 0 : i32
        %lt3A_230 = arith.cmpi slt, %rem3A_227, %lt3A : i32
        %lt3A_231 = arith.constant 0 : i32
        %lt3A_232 = arith.cmpi slt, %select_n3A_226, %lt3A_231 : i32
        %ne3A_233 = arith.xori %lt3A_230, %lt3A_232 : i1
        %and3A_234 = arith.andi %ne3A_233, %ne3A_229 : i1
        %add3A_235 = arith.addi %rem3A_227, %select_n3A_226 : i32
        %select_n3A_236 = arith.select %and3A_234, %add3A_235, %rem3A_227 : i32
        %mul3A_237 = arith.constant 16 : i32
        %mul3A_238 = arith.muli %select_n3A_236, %mul3A_237 : i32
        %get3A = arith.index_cast %select_n3A : i32 to index
        %get3A_239 = arith.index_cast %mul3A_238 : i32 to index
        %get3A_240 = tpu.vector_load %arg7[%get3A, %get3A_239] {strides = array<i32>} : memref<16x1024xf32, #tpu.memory_space<vmem>>, vector<1x16xf32>,
        %get3A_241 = vector.shape_cast %get3A_240 : vector<1x16xf32> to vector<16xf32>
        %get3A_242 = arith.index_cast %select_n3A : i32 to index
        %get3A_243 = arith.index_cast %mul3A_238 : i32 to index
        %get3A_244 = tpu.vector_load %arg5[%get3A_242, %get3A_243] {strides = array<i32>} : memref<16x1024xf32, #tpu.memory_space<vmem>>, vector<1x16xf32>,
        %get3A_245 = vector.shape_cast %get3A_244 : vector<1x16xf32> to vector<16xf32>
        %add3A_246 = arith.addf %get3A_241, %get3A_245 : vector<16xf32>
        %swap3A = arith.index_cast %select_n3A : i32 to index
        %swap3A_247 = arith.index_cast %mul3A_238 : i32 to index
        %swap3A_248 = tpu.vector_load %arg7[%swap3A, %swap3A_247] {strides = array<i32>} : memref<16x1024xf32, #tpu.memory_space<vmem>>, vector<1x16xf32>,
        %swap3A_249 = vector.shape_cast %swap3A_248 : vector<1x16xf32> to vector<16xf32>
        %swap3A_250 = vector.shape_cast %add3A_246 : vector<16xf32> to vector<1x16xf32>
        tpu.vector_store %arg7[%swap3A, %swap3A_247], %swap3A_250 {strides = array<i32>} : memref<16x1024xf32, #tpu.memory_space<vmem>>, vector<1x16xf32>,
        %scan3A_251 = arith.constant 1 : i32
        %scan3A_252 = arith.addi %scan3A_205, %scan3A_251 : i32
        %jit3A_253 = arith.constant 64 : i32
        %div3A_254 = arith.divsi %scan3A_252, %jit3A_253 : i32
        %sign3A_255 = arith.constant 0 : i32
        %sign3A_256 = arith.cmpi sgt, %scan3A_252, %sign3A_255 : i32
        %sign3A_257 = arith.extui %sign3A_256 : i1 to i32
        %sign3A_258 = arith.constant 0 : i32
        %sign3A_259 = arith.cmpi slt, %scan3A_252, %sign3A_258 : i32
        %sign3A_260 = arith.extui %sign3A_259 : i1 to i32
        %sign3A_261 = arith.subi %sign3A_257, %sign3A_260 : i32
        %sign3A_262 = arith.constant 0 : i32
        %sign3A_263 = arith.cmpi sgt, %jit3A_253, %sign3A_262 : i32
        %sign3A_264 = arith.extui %sign3A_263 : i1 to i32
        %sign3A_265 = arith.constant 0 : i32
        %sign3A_266 = arith.cmpi slt, %jit3A_253, %sign3A_265 : i32
        %sign3A_267 = arith.extui %sign3A_266 : i1 to i32
        %sign3A_268 = arith.subi %sign3A_264, %sign3A_267 : i32
        %ne3A_269 = arith.cmpi ne, %sign3A_261, %sign3A_268 : i32
        %rem3A_270 = arith.remsi %scan3A_252, %jit3A_253 : i32
        %ne3A_271 = arith.constant 0 : i32
        %ne3A_272 = arith.cmpi ne, %rem3A_270, %ne3A_271 : i32
        %and3A_273 = arith.andi %ne3A_269, %ne3A_272 : i1
        %sub3A_274 = arith.constant 1 : i32
        %sub3A_275 = arith.subi %div3A_254, %sub3A_274 : i32
        %select_n3A_276 = arith.select %and3A_273, %sub3A_275, %div3A_254 : i32
        %jit3A_277 = arith.constant 64 : i32
        %eq3A_278 = arith.constant 0 : i32
        %eq3A_279 = arith.cmpi eq, %jit3A_277, %eq3A_278 : i32
        %jit3A_280 = arith.constant 1 : i32
        %select_n3A_281 = arith.select %eq3A_279, %jit3A_280, %jit3A_277 : i32
        %rem3A_282 = arith.remsi %scan3A_252, %select_n3A_281 : i32
        %ne3A_283 = arith.constant 0 : i32
        %ne3A_284 = arith.cmpi ne, %rem3A_282, %ne3A_283 : i32
        %lt3A_285 = arith.constant 0 : i32
        %lt3A_286 = arith.cmpi slt, %rem3A_282, %lt3A_285 : i32
        %lt3A_287 = arith.constant 0 : i32
        %lt3A_288 = arith.cmpi slt, %select_n3A_281, %lt3A_287 : i32
        %ne3A_289 = arith.xori %lt3A_286, %lt3A_288 : i1
        %and3A_290 = arith.andi %ne3A_289, %ne3A_284 : i1
        %add3A_291 = arith.addi %rem3A_282, %select_n3A_281 : i32
        %select_n3A_292 = arith.select %and3A_290, %add3A_291, %rem3A_282 : i32
        %mul3A_293 = arith.constant 16 : i32
        %mul3A_294 = arith.muli %select_n3A_292, %mul3A_293 : i32
        %get3A_295 = arith.index_cast %select_n3A_276 : i32 to index
        %get3A_296 = arith.index_cast %mul3A_294 : i32 to index
        %get3A_297 = tpu.vector_load %arg7[%get3A_295, %get3A_296] {strides = array<i32>} : memref<16x1024xf32, #tpu.memory_space<vmem>>, vector<1x16xf32>,
        %get3A_298 = vector.shape_cast %get3A_297 : vector<1x16xf32> to vector<16xf32>
        %get3A_299 = arith.index_cast %select_n3A_276 : i32 to index
        %get3A_300 = arith.index_cast %mul3A_294 : i32 to index
        %get3A_301 = tpu.vector_load %arg5[%get3A_299, %get3A_300] {strides = array<i32>} : memref<16x1024xf32, #tpu.memory_space<vmem>>, vector<1x16xf32>,
        %get3A_302 = vector.shape_cast %get3A_301 : vector<1x16xf32> to vector<16xf32>
        %add3A_303 = arith.addf %get3A_298, %get3A_302 : vector<16xf32>
        %swap3A_304 = arith.index_cast %select_n3A_276 : i32 to index
        %swap3A_305 = arith.index_cast %mul3A_294 : i32 to index
        %swap3A_306 = tpu.vector_load %arg7[%swap3A_304, %swap3A_305] {strides = array<i32>} : memref<16x1024xf32, #tpu.memory_space<vmem>>, vector<1x16xf32>,
        %swap3A_307 = vector.shape_cast %swap3A_306 : vector<1x16xf32> to vector<16xf32>
        %swap3A_308 = vector.shape_cast %add3A_303 : vector<16xf32> to vector<1x16xf32>
        tpu.vector_store %arg7[%swap3A_304, %swap3A_305], %swap3A_308 {strides = array<i32>} : memref<16x1024xf32, #tpu.memory_space<vmem>>, vector<1x16xf32>,
        %scan3A_309 = arith.constant 2 : i32
        %scan3A_310 = arith.addi %scan3A_205, %scan3A_309 : i32
        %jit3A_311 = arith.constant 64 : i32
        %div3A_312 = arith.divsi %scan3A_310, %jit3A_311 : i32
        %sign3A_313 = arith.constant 0 : i32
        %sign3A_314 = arith.cmpi sgt, %scan3A_310, %sign3A_313 : i32
        %sign3A_315 = arith.extui %sign3A_314 : i1 to i32
        %sign3A_316 = arith.constant 0 : i32
        %sign3A_317 = arith.cmpi slt, %scan3A_310, %sign3A_316 : i32
        %sign3A_318 = arith.extui %sign3A_317 : i1 to i32
        %sign3A_319 = arith.subi %sign3A_315, %sign3A_318 : i32
        %sign3A_320 = arith.constant 0 : i32
        %sign3A_321 = arith.cmpi sgt, %jit3A_311, %sign3A_320 : i32
        %sign3A_322 = arith.extui %sign3A_321 : i1 to i32
        %sign3A_323 = arith.constant 0 : i32
        %sign3A_324 = arith.cmpi slt, %jit3A_311, %sign3A_323 : i32
        %sign3A_325 = arith.extui %sign3A_324 : i1 to i32
        %sign3A_326 = arith.subi %sign3A_322, %sign3A_325 : i32
        %ne3A_327 = arith.cmpi ne, %sign3A_319, %sign3A_326 : i32
        %rem3A_328 = arith.remsi %scan3A_310, %jit3A_311 : i32
        %ne3A_329 = arith.constant 0 : i32
        %ne3A_330 = arith.cmpi ne, %rem3A_328, %ne3A_329 : i32
        %and3A_331 = arith.andi %ne3A_327, %ne3A_330 : i1
        %sub3A_332 = arith.constant 1 : i32
        %sub3A_333 = arith.subi %div3A_312, %sub3A_332 : i32
        %select_n3A_334 = arith.select %and3A_331, %sub3A_333, %div3A_312 : i32
        %jit3A_335 = arith.constant 64 : i32
        %eq3A_336 = arith.constant 0 : i32
        %eq3A_337 = arith.cmpi eq, %jit3A_335, %eq3A_336 : i32
        %jit3A_338 = arith.constant 1 : i32
        %select_n3A_339 = arith.select %eq3A_337, %jit3A_338, %jit3A_335 : i32
        %rem3A_340 = arith.remsi %scan3A_310, %select_n3A_339 : i32
        %ne3A_341 = arith.constant 0 : i32
        %ne3A_342 = arith.cmpi ne, %rem3A_340, %ne3A_341 : i32
        %lt3A_343 = arith.constant 0 : i32
        %lt3A_344 = arith.cmpi slt, %rem3A_340, %lt3A_343 : i32
        %lt3A_345 = arith.constant 0 : i32
        %lt3A_346 = arith.cmpi slt, %select_n3A_339, %lt3A_345 : i32
        %ne3A_347 = arith.xori %lt3A_344, %lt3A_346 : i1
        %and3A_348 = arith.andi %ne3A_347, %ne3A_342 : i1
        %add3A_349 = arith.addi %rem3A_340, %select_n3A_339 : i32
        %select_n3A_350 = arith.select %and3A_348, %add3A_349, %rem3A_340 : i32
        %mul3A_351 = arith.constant 16 : i32
        %mul3A_352 = arith.muli %select_n3A_350, %mul3A_351 : i32
        %get3A_353 = arith.index_cast %select_n3A_334 : i32 to index
        %get3A_354 = arith.index_cast %mul3A_352 : i32 to index
        %get3A_355 = tpu.vector_load %arg7[%get3A_353, %get3A_354] {strides = array<i32>} : memref<16x1024xf32, #tpu.memory_space<vmem>>, vector<1x16xf32>,
        %get3A_356 = vector.shape_cast %get3A_355 : vector<1x16xf32> to vector<16xf32>
        %get3A_357 = arith.index_cast %select_n3A_334 : i32 to index
        %get3A_358 = arith.index_cast %mul3A_352 : i32 to index
        %get3A_359 = tpu.vector_load %arg5[%get3A_357, %get3A_358] {strides = array<i32>} : memref<16x1024xf32, #tpu.memory_space<vmem>>, vector<1x16xf32>,
        %get3A_360 = vector.shape_cast %get3A_359 : vector<1x16xf32> to vector<16xf32>
        %add3A_361 = arith.addf %get3A_356, %get3A_360 : vector<16xf32>
        %swap3A_362 = arith.index_cast %select_n3A_334 : i32 to index
        %swap3A_363 = arith.index_cast %mul3A_352 : i32 to index
        %swap3A_364 = tpu.vector_load %arg7[%swap3A_362, %swap3A_363] {strides = array<i32>} : memref<16x1024xf32, #tpu.memory_space<vmem>>, vector<1x16xf32>,
        %swap3A_365 = vector.shape_cast %swap3A_364 : vector<1x16xf32> to vector<16xf32>
        %swap3A_366 = vector.shape_cast %add3A_361 : vector<16xf32> to vector<1x16xf32>
        tpu.vector_store %arg7[%swap3A_362, %swap3A_363], %swap3A_366 {strides = array<i32>} : memref<16x1024xf32, #tpu.memory_space<vmem>>, vector<1x16xf32>,
        %scan3A_367 = arith.constant 3 : i32
        %scan3A_368 = arith.addi %scan3A_205, %scan3A_367 : i32
        %jit3A_369 = arith.constant 64 : i32
        %div3A_370 = arith.divsi %scan3A_368, %jit3A_369 : i32
        %sign3A_371 = arith.constant 0 : i32
        %sign3A_372 = arith.cmpi sgt, %scan3A_368, %sign3A_371 : i32
        %sign3A_373 = arith.extui %sign3A_372 : i1 to i32
        %sign3A_374 = arith.constant 0 : i32
        %sign3A_375 = arith.cmpi slt, %scan3A_368, %sign3A_374 : i32
        %sign3A_376 = arith.extui %sign3A_375 : i1 to i32
        %sign3A_377 = arith.subi %sign3A_373, %sign3A_376 : i32
        %sign3A_378 = arith.constant 0 : i32
        %sign3A_379 = arith.cmpi sgt, %jit3A_369, %sign3A_378 : i32
        %sign3A_380 = arith.extui %sign3A_379 : i1 to i32
        %sign3A_381 = arith.constant 0 : i32
        %sign3A_382 = arith.cmpi slt, %jit3A_369, %sign3A_381 : i32
        %sign3A_383 = arith.extui %sign3A_382 : i1 to i32
        %sign3A_384 = arith.subi %sign3A_380, %sign3A_383 : i32
        %ne3A_385 = arith.cmpi ne, %sign3A_377, %sign3A_384 : i32
        %rem3A_386 = arith.remsi %scan3A_368, %jit3A_369 : i32
        %ne3A_387 = arith.constant 0 : i32
        %ne3A_388 = arith.cmpi ne, %rem3A_386, %ne3A_387 : i32
        %and3A_389 = arith.andi %ne3A_385, %ne3A_388 : i1
        %sub3A_390 = arith.constant 1 : i32
        %sub3A_391 = arith.subi %div3A_370, %sub3A_390 : i32
        %select_n3A_392 = arith.select %and3A_389, %sub3A_391, %div3A_370 : i32
        %jit3A_393 = arith.constant 64 : i32
        %eq3A_394 = arith.constant 0 : i32
        %eq3A_395 = arith.cmpi eq, %jit3A_393, %eq3A_394 : i32
        %jit3A_396 = arith.constant 1 : i32
        %select_n3A_397 = arith.select %eq3A_395, %jit3A_396, %jit3A_393 : i32
        %rem3A_398 = arith.remsi %scan3A_368, %select_n3A_397 : i32
        %ne3A_399 = arith.constant 0 : i32
        %ne3A_400 = arith.cmpi ne, %rem3A_398, %ne3A_399 : i32
        %lt3A_401 = arith.constant 0 : i32
        %lt3A_402 = arith.cmpi slt, %rem3A_398, %lt3A_401 : i32
        %lt3A_403 = arith.constant 0 : i32
        %lt3A_404 = arith.cmpi slt, %select_n3A_397, %lt3A_403 : i32
        %ne3A_405 = arith.xori %lt3A_402, %lt3A_404 : i1
        %and3A_406 = arith.andi %ne3A_405, %ne3A_400 : i1
        %add3A_407 = arith.addi %rem3A_398, %select_n3A_397 : i32
        %select_n3A_408 = arith.select %and3A_406, %add3A_407, %rem3A_398 : i32
        %mul3A_409 = arith.constant 16 : i32
        %mul3A_410 = arith.muli %select_n3A_408, %mul3A_409 : i32
        %get3A_411 = arith.index_cast %select_n3A_392 : i32 to index
        %get3A_412 = arith.index_cast %mul3A_410 : i32 to index
        %get3A_413 = tpu.vector_load %arg7[%get3A_411, %get3A_412] {strides = array<i32>} : memref<16x1024xf32, #tpu.memory_space<vmem>>, vector<1x16xf32>,
        %get3A_414 = vector.shape_cast %get3A_413 : vector<1x16xf32> to vector<16xf32>
        %get3A_415 = arith.index_cast %select_n3A_392 : i32 to index
        %get3A_416 = arith.index_cast %mul3A_410 : i32 to index
        %get3A_417 = tpu.vector_load %arg5[%get3A_415, %get3A_416] {strides = array<i32>} : memref<16x1024xf32, #tpu.memory_space<vmem>>, vector<1x16xf32>,
        %get3A_418 = vector.shape_cast %get3A_417 : vector<1x16xf32> to vector<16xf32>
        %add3A_419 = arith.addf %get3A_414, %get3A_418 : vector<16xf32>
        %swap3A_420 = arith.index_cast %select_n3A_392 : i32 to index
        %swap3A_421 = arith.index_cast %mul3A_410 : i32 to index
        %swap3A_422 = tpu.vector_load %arg7[%swap3A_420, %swap3A_421] {strides = array<i32>} : memref<16x1024xf32, #tpu.memory_space<vmem>>, vector<1x16xf32>,
        %swap3A_423 = vector.shape_cast %swap3A_422 : vector<1x16xf32> to vector<16xf32>
        %swap3A_424 = vector.shape_cast %add3A_419 : vector<16xf32> to vector<1x16xf32>
        tpu.vector_store %arg7[%swap3A_420, %swap3A_421], %swap3A_424 {strides = array<i32>} : memref<16x1024xf32, #tpu.memory_space<vmem>>, vector<1x16xf32>,
        %scan3A_425 = arith.constant 4 : i32
        %scan3A_426 = arith.addi %scan3A_205, %scan3A_425 : i32
        %jit3A_427 = arith.constant 64 : i32
        %div3A_428 = arith.divsi %scan3A_426, %jit3A_427 : i32
        %sign3A_429 = arith.constant 0 : i32
        %sign3A_430 = arith.cmpi sgt, %scan3A_426, %sign3A_429 : i32
        %sign3A_431 = arith.extui %sign3A_430 : i1 to i32
        %sign3A_432 = arith.constant 0 : i32
        %sign3A_433 = arith.cmpi slt, %scan3A_426, %sign3A_432 : i32
        %sign3A_434 = arith.extui %sign3A_433 : i1 to i32
        %sign3A_435 = arith.subi %sign3A_431, %sign3A_434 : i32
        %sign3A_436 = arith.constant 0 : i32
        %sign3A_437 = arith.cmpi sgt, %jit3A_427, %sign3A_436 : i32
        %sign3A_438 = arith.extui %sign3A_437 : i1 to i32
        %sign3A_439 = arith.constant 0 : i32
        %sign3A_440 = arith.cmpi slt, %jit3A_427, %sign3A_439 : i32
        %sign3A_441 = arith.extui %sign3A_440 : i1 to i32
        %sign3A_442 = arith.subi %sign3A_438, %sign3A_441 : i32
        %ne3A_443 = arith.cmpi ne, %sign3A_435, %sign3A_442 : i32
        %rem3A_444 = arith.remsi %scan3A_426, %jit3A_427 : i32
        %ne3A_445 = arith.constant 0 : i32
        %ne3A_446 = arith.cmpi ne, %rem3A_444, %ne3A_445 : i32
        %and3A_447 = arith.andi %ne3A_443, %ne3A_446 : i1
        %sub3A_448 = arith.constant 1 : i32
        %sub3A_449 = arith.subi %div3A_428, %sub3A_448 : i32
        %select_n3A_450 = arith.select %and3A_447, %sub3A_449, %div3A_428 : i32
        %jit3A_451 = arith.constant 64 : i32
        %eq3A_452 = arith.constant 0 : i32
        %eq3A_453 = arith.cmpi eq, %jit3A_451, %eq3A_452 : i32
        %jit3A_454 = arith.constant 1 : i32
        %select_n3A_455 = arith.select %eq3A_453, %jit3A_454, %jit3A_451 : i32
        %rem3A_456 = arith.remsi %scan3A_426, %select_n3A_455 : i32
        %ne3A_457 = arith.constant 0 : i32
        %ne3A_458 = arith.cmpi ne, %rem3A_456, %ne3A_457 : i32
        %lt3A_459 = arith.constant 0 : i32
        %lt3A_460 = arith.cmpi slt, %rem3A_456, %lt3A_459 : i32
        %lt3A_461 = arith.constant 0 : i32
        %lt3A_462 = arith.cmpi slt, %select_n3A_455, %lt3A_461 : i32
        %ne3A_463 = arith.xori %lt3A_460, %lt3A_462 : i1
        %and3A_464 = arith.andi %ne3A_463, %ne3A_458 : i1
        %add3A_465 = arith.addi %rem3A_456, %select_n3A_455 : i32
        %select_n3A_466 = arith.select %and3A_464, %add3A_465, %rem3A_456 : i32
        %mul3A_467 = arith.constant 16 : i32
        %mul3A_468 = arith.muli %select_n3A_466, %mul3A_467 : i32
        %get3A_469 = arith.index_cast %select_n3A_450 : i32 to index
        %get3A_470 = arith.index_cast %mul3A_468 : i32 to index
        %get3A_471 = tpu.vector_load %arg7[%get3A_469, %get3A_470] {strides = array<i32>} : memref<16x1024xf32, #tpu.memory_space<vmem>>, vector<1x16xf32>,
        %get3A_472 = vector.shape_cast %get3A_471 : vector<1x16xf32> to vector<16xf32>
        %get3A_473 = arith.index_cast %select_n3A_450 : i32 to index
        %get3A_474 = arith.index_cast %mul3A_468 : i32 to index
        %get3A_475 = tpu.vector_load %arg5[%get3A_473, %get3A_474] {strides = array<i32>} : memref<16x1024xf32, #tpu.memory_space<vmem>>, vector<1x16xf32>,
        %get3A_476 = vector.shape_cast %get3A_475 : vector<1x16xf32> to vector<16xf32>
        %add3A_477 = arith.addf %get3A_472, %get3A_476 : vector<16xf32>
        %swap3A_478 = arith.index_cast %select_n3A_450 : i32 to index
        %swap3A_479 = arith.index_cast %mul3A_468 : i32 to index
        %swap3A_480 = tpu.vector_load %arg7[%swap3A_478, %swap3A_479] {strides = array<i32>} : memref<16x1024xf32, #tpu.memory_space<vmem>>, vector<1x16xf32>,
        %swap3A_481 = vector.shape_cast %swap3A_480 : vector<1x16xf32> to vector<16xf32>
        %swap3A_482 = vector.shape_cast %add3A_477 : vector<16xf32> to vector<1x16xf32>
        tpu.vector_store %arg7[%swap3A_478, %swap3A_479], %swap3A_482 {strides = array<i32>} : memref<16x1024xf32, #tpu.memory_space<vmem>>, vector<1x16xf32>,
        %scan3A_483 = arith.constant 5 : i32
        %scan3A_484 = arith.addi %scan3A_205, %scan3A_483 : i32
        %jit3A_485 = arith.constant 64 : i32
        %div3A_486 = arith.divsi %scan3A_484, %jit3A_485 : i32
        %sign3A_487 = arith.constant 0 : i32
        %sign3A_488 = arith.cmpi sgt, %scan3A_484, %sign3A_487 : i32
        %sign3A_489 = arith.extui %sign3A_488 : i1 to i32
        %sign3A_490 = arith.constant 0 : i32
        %sign3A_491 = arith.cmpi slt, %scan3A_484, %sign3A_490 : i32
        %sign3A_492 = arith.extui %sign3A_491 : i1 to i32
        %sign3A_493 = arith.subi %sign3A_489, %sign3A_492 : i32
        %sign3A_494 = arith.constant 0 : i32
        %sign3A_495 = arith.cmpi sgt, %jit3A_485, %sign3A_494 : i32
        %sign3A_496 = arith.extui %sign3A_495 : i1 to i32
        %sign3A_497 = arith.constant 0 : i32
        %sign3A_498 = arith.cmpi slt, %jit3A_485, %sign3A_497 : i32
        %sign3A_499 = arith.extui %sign3A_498 : i1 to i32
        %sign3A_500 = arith.subi %sign3A_496, %sign3A_499 : i32
        %ne3A_501 = arith.cmpi ne, %sign3A_493, %sign3A_500 : i32
        %rem3A_502 = arith.remsi %scan3A_484, %jit3A_485 : i32
        %ne3A_503 = arith.constant 0 : i32
        %ne3A_504 = arith.cmpi ne, %rem3A_502, %ne3A_503 : i32
        %and3A_505 = arith.andi %ne3A_501, %ne3A_504 : i1
        %sub3A_506 = arith.constant 1 : i32
        %sub3A_507 = arith.subi %div3A_486, %sub3A_506 : i32
        %select_n3A_508 = arith.select %and3A_505, %sub3A_507, %div3A_486 : i32
        %jit3A_509 = arith.constant 64 : i32
        %eq3A_510 = arith.constant 0 : i32
        %eq3A_511 = arith.cmpi eq, %jit3A_509, %eq3A_510 : i32
        %jit3A_512 = arith.constant 1 : i32
        %select_n3A_513 = arith.select %eq3A_511, %jit3A_512, %jit3A_509 : i32
        %rem3A_514 = arith.remsi %scan3A_484, %select_n3A_513 : i32
        %ne3A_515 = arith.constant 0 : i32
        %ne3A_516 = arith.cmpi ne, %rem3A_514, %ne3A_515 : i32
        %lt3A_517 = arith.constant 0 : i32
        %lt3A_518 = arith.cmpi slt, %rem3A_514, %lt3A_517 : i32
        %lt3A_519 = arith.constant 0 : i32
        %lt3A_520 = arith.cmpi slt, %select_n3A_513, %lt3A_519 : i32
        %ne3A_521 = arith.xori %lt3A_518, %lt3A_520 : i1
        %and3A_522 = arith.andi %ne3A_521, %ne3A_516 : i1
        %add3A_523 = arith.addi %rem3A_514, %select_n3A_513 : i32
        %select_n3A_524 = arith.select %and3A_522, %add3A_523, %rem3A_514 : i32
        %mul3A_525 = arith.constant 16 : i32
        %mul3A_526 = arith.muli %select_n3A_524, %mul3A_525 : i32
        %get3A_527 = arith.index_cast %select_n3A_508 : i32 to index
        %get3A_528 = arith.index_cast %mul3A_526 : i32 to index
        %get3A_529 = tpu.vector_load %arg7[%get3A_527, %get3A_528] {strides = array<i32>} : memref<16x1024xf32, #tpu.memory_space<vmem>>, vector<1x16xf32>,
        %get3A_530 = vector.shape_cast %get3A_529 : vector<1x16xf32> to vector<16xf32>
        %get3A_531 = arith.index_cast %select_n3A_508 : i32 to index
        %get3A_532 = arith.index_cast %mul3A_526 : i32 to index
        %get3A_533 = tpu.vector_load %arg5[%get3A_531, %get3A_532] {strides = array<i32>} : memref<16x1024xf32, #tpu.memory_space<vmem>>, vector<1x16xf32>,
        %get3A_534 = vector.shape_cast %get3A_533 : vector<1x16xf32> to vector<16xf32>
        %add3A_535 = arith.addf %get3A_530, %get3A_534 : vector<16xf32>
        %swap3A_536 = arith.index_cast %select_n3A_508 : i32 to index
        %swap3A_537 = arith.index_cast %mul3A_526 : i32 to index
        %swap3A_538 = tpu.vector_load %arg7[%swap3A_536, %swap3A_537] {strides = array<i32>} : memref<16x1024xf32, #tpu.memory_space<vmem>>, vector<1x16xf32>,
        %swap3A_539 = vector.shape_cast %swap3A_538 : vector<1x16xf32> to vector<16xf32>
        %swap3A_540 = vector.shape_cast %add3A_535 : vector<16xf32> to vector<1x16xf32>
        tpu.vector_store %arg7[%swap3A_536, %swap3A_537], %swap3A_540 {strides = array<i32>} : memref<16x1024xf32, #tpu.memory_space<vmem>>, vector<1x16xf32>,
        %scan3A_541 = arith.constant 6 : i32
        %scan3A_542 = arith.addi %scan3A_205, %scan3A_541 : i32
        %jit3A_543 = arith.constant 64 : i32
        %div3A_544 = arith.divsi %scan3A_542, %jit3A_543 : i32
        %sign3A_545 = arith.constant 0 : i32
        %sign3A_546 = arith.cmpi sgt, %scan3A_542, %sign3A_545 : i32
        %sign3A_547 = arith.extui %sign3A_546 : i1 to i32
        %sign3A_548 = arith.constant 0 : i32
        %sign3A_549 = arith.cmpi slt, %scan3A_542, %sign3A_548 : i32
        %sign3A_550 = arith.extui %sign3A_549 : i1 to i32
        %sign3A_551 = arith.subi %sign3A_547, %sign3A_550 : i32
        %sign3A_552 = arith.constant 0 : i32
        %sign3A_553 = arith.cmpi sgt, %jit3A_543, %sign3A_552 : i32
        %sign3A_554 = arith.extui %sign3A_553 : i1 to i32
        %sign3A_555 = arith.constant 0 : i32
        %sign3A_556 = arith.cmpi slt, %jit3A_543, %sign3A_555 : i32
        %sign3A_557 = arith.extui %sign3A_556 : i1 to i32
        %sign3A_558 = arith.subi %sign3A_554, %sign3A_557 : i32
        %ne3A_559 = arith.cmpi ne, %sign3A_551, %sign3A_558 : i32
        %rem3A_560 = arith.remsi %scan3A_542, %jit3A_543 : i32
        %ne3A_561 = arith.constant 0 : i32
        %ne3A_562 = arith.cmpi ne, %rem3A_560, %ne3A_561 : i32
        %and3A_563 = arith.andi %ne3A_559, %ne3A_562 : i1
        %sub3A_564 = arith.constant 1 : i32
        %sub3A_565 = arith.subi %div3A_544, %sub3A_564 : i32
        %select_n3A_566 = arith.select %and3A_563, %sub3A_565, %div3A_544 : i32
        %jit3A_567 = arith.constant 64 : i32
        %eq3A_568 = arith.constant 0 : i32
        %eq3A_569 = arith.cmpi eq, %jit3A_567, %eq3A_568 : i32
        %jit3A_570 = arith.constant 1 : i32
        %select_n3A_571 = arith.select %eq3A_569, %jit3A_570, %jit3A_567 : i32
        %rem3A_572 = arith.remsi %scan3A_542, %select_n3A_571 : i32
        %ne3A_573 = arith.constant 0 : i32
        %ne3A_574 = arith.cmpi ne, %rem3A_572, %ne3A_573 : i32
        %lt3A_575 = arith.constant 0 : i32
        %lt3A_576 = arith.cmpi slt, %rem3A_572, %lt3A_575 : i32
        %lt3A_577 = arith.constant 0 : i32
        %lt3A_578 = arith.cmpi slt, %select_n3A_571, %lt3A_577 : i32
        %ne3A_579 = arith.xori %lt3A_576, %lt3A_578 : i1
        %and3A_580 = arith.andi %ne3A_579, %ne3A_574 : i1
        %add3A_581 = arith.addi %rem3A_572, %select_n3A_571 : i32
        %select_n3A_582 = arith.select %and3A_580, %add3A_581, %rem3A_572 : i32
        %mul3A_583 = arith.constant 16 : i32
        %mul3A_584 = arith.muli %select_n3A_582, %mul3A_583 : i32
        %get3A_585 = arith.index_cast %select_n3A_566 : i32 to index
        %get3A_586 = arith.index_cast %mul3A_584 : i32 to index
        %get3A_587 = tpu.vector_load %arg7[%get3A_585, %get3A_586] {strides = array<i32>} : memref<16x1024xf32, #tpu.memory_space<vmem>>, vector<1x16xf32>,
        %get3A_588 = vector.shape_cast %get3A_587 : vector<1x16xf32> to vector<16xf32>
        %get3A_589 = arith.index_cast %select_n3A_566 : i32 to index
        %get3A_590 = arith.index_cast %mul3A_584 : i32 to index
        %get3A_591 = tpu.vector_load %arg5[%get3A_589, %get3A_590] {strides = array<i32>} : memref<16x1024xf32, #tpu.memory_space<vmem>>, vector<1x16xf32>,
        %get3A_592 = vector.shape_cast %get3A_591 : vector<1x16xf32> to vector<16xf32>
        %add3A_593 = arith.addf %get3A_588, %get3A_592 : vector<16xf32>
        %swap3A_594 = arith.index_cast %select_n3A_566 : i32 to index
        %swap3A_595 = arith.index_cast %mul3A_584 : i32 to index
        %swap3A_596 = tpu.vector_load %arg7[%swap3A_594, %swap3A_595] {strides = array<i32>} : memref<16x1024xf32, #tpu.memory_space<vmem>>, vector<1x16xf32>,
        %swap3A_597 = vector.shape_cast %swap3A_596 : vector<1x16xf32> to vector<16xf32>
        %swap3A_598 = vector.shape_cast %add3A_593 : vector<16xf32> to vector<1x16xf32>
        tpu.vector_store %arg7[%swap3A_594, %swap3A_595], %swap3A_598 {strides = array<i32>} : memref<16x1024xf32, #tpu.memory_space<vmem>>, vector<1x16xf32>,
        %scan3A_599 = arith.constant 7 : i32
        %scan3A_600 = arith.addi %scan3A_205, %scan3A_599 : i32
        %jit3A_601 = arith.constant 64 : i32
        %div3A_602 = arith.divsi %scan3A_600, %jit3A_601 : i32
        %sign3A_603 = arith.constant 0 : i32
        %sign3A_604 = arith.cmpi sgt, %scan3A_600, %sign3A_603 : i32
        %sign3A_605 = arith.extui %sign3A_604 : i1 to i32
        %sign3A_606 = arith.constant 0 : i32
        %sign3A_607 = arith.cmpi slt, %scan3A_600, %sign3A_606 : i32
        %sign3A_608 = arith.extui %sign3A_607 : i1 to i32
        %sign3A_609 = arith.subi %sign3A_605, %sign3A_608 : i32
        %sign3A_610 = arith.constant 0 : i32
        %sign3A_611 = arith.cmpi sgt, %jit3A_601, %sign3A_610 : i32
        %sign3A_612 = arith.extui %sign3A_611 : i1 to i32
        %sign3A_613 = arith.constant 0 : i32
        %sign3A_614 = arith.cmpi slt, %jit3A_601, %sign3A_613 : i32
        %sign3A_615 = arith.extui %sign3A_614 : i1 to i32
        %sign3A_616 = arith.subi %sign3A_612, %sign3A_615 : i32
        %ne3A_617 = arith.cmpi ne, %sign3A_609, %sign3A_616 : i32
        %rem3A_618 = arith.remsi %scan3A_600, %jit3A_601 : i32
        %ne3A_619 = arith.constant 0 : i32
        %ne3A_620 = arith.cmpi ne, %rem3A_618, %ne3A_619 : i32
        %and3A_621 = arith.andi %ne3A_617, %ne3A_620 : i1
        %sub3A_622 = arith.constant 1 : i32
        %sub3A_623 = arith.subi %div3A_602, %sub3A_622 : i32
        %select_n3A_624 = arith.select %and3A_621, %sub3A_623, %div3A_602 : i32
        %jit3A_625 = arith.constant 64 : i32
        %eq3A_626 = arith.constant 0 : i32
        %eq3A_627 = arith.cmpi eq, %jit3A_625, %eq3A_626 : i32
        %jit3A_628 = arith.constant 1 : i32
        %select_n3A_629 = arith.select %eq3A_627, %jit3A_628, %jit3A_625 : i32
        %rem3A_630 = arith.remsi %scan3A_600, %select_n3A_629 : i32
        %ne3A_631 = arith.constant 0 : i32
        %ne3A_632 = arith.cmpi ne, %rem3A_630, %ne3A_631 : i32
        %lt3A_633 = arith.constant 0 : i32
        %lt3A_634 = arith.cmpi slt, %rem3A_630, %lt3A_633 : i32
        %lt3A_635 = arith.constant 0 : i32
        %lt3A_636 = arith.cmpi slt, %select_n3A_629, %lt3A_635 : i32
        %ne3A_637 = arith.xori %lt3A_634, %lt3A_636 : i1
        %and3A_638 = arith.andi %ne3A_637, %ne3A_632 : i1
        %add3A_639 = arith.addi %rem3A_630, %select_n3A_629 : i32
        %select_n3A_640 = arith.select %and3A_638, %add3A_639, %rem3A_630 : i32
        %mul3A_641 = arith.constant 16 : i32
        %mul3A_642 = arith.muli %select_n3A_640, %mul3A_641 : i32
        %get3A_643 = arith.index_cast %select_n3A_624 : i32 to index
        %get3A_644 = arith.index_cast %mul3A_642 : i32 to index
        %get3A_645 = tpu.vector_load %arg7[%get3A_643, %get3A_644] {strides = array<i32>} : memref<16x1024xf32, #tpu.memory_space<vmem>>, vector<1x16xf32>,
        %get3A_646 = vector.shape_cast %get3A_645 : vector<1x16xf32> to vector<16xf32>
        %get3A_647 = arith.index_cast %select_n3A_624 : i32 to index
        %get3A_648 = arith.index_cast %mul3A_642 : i32 to index
        %get3A_649 = tpu.vector_load %arg5[%get3A_647, %get3A_648] {strides = array<i32>} : memref<16x1024xf32, #tpu.memory_space<vmem>>, vector<1x16xf32>,
        %get3A_650 = vector.shape_cast %get3A_649 : vector<1x16xf32> to vector<16xf32>
        %add3A_651 = arith.addf %get3A_646, %get3A_650 : vector<16xf32>
        %swap3A_652 = arith.index_cast %select_n3A_624 : i32 to index
        %swap3A_653 = arith.index_cast %mul3A_642 : i32 to index
        %swap3A_654 = tpu.vector_load %arg7[%swap3A_652, %swap3A_653] {strides = array<i32>} : memref<16x1024xf32, #tpu.memory_space<vmem>>, vector<1x16xf32>,
        %swap3A_655 = vector.shape_cast %swap3A_654 : vector<1x16xf32> to vector<16xf32>
        %swap3A_656 = vector.shape_cast %add3A_651 : vector<16xf32> to vector<1x16xf32>
        tpu.vector_store %arg7[%swap3A_652, %swap3A_653], %swap3A_656 {strides = array<i32>} : memref<16x1024xf32, #tpu.memory_space<vmem>>, vector<1x16xf32>,
      }
      %scan3A_197 = arith.constant 1024 : i32
      %mul3A_198 = arith.constant 16 : i32
      %mul3A_199 = arith.muli %add3A_153, %mul3A_198 : i32
      %add3A_200 = arith.addi %mul3A_2, %mul3A_199 : i32
      %dma_start3A_201 = arith.constant 0 : i32
      %dma_start3A_202 = tpu.memref_slice %arg4[%add3A_200, %dma_start3A_201] : memref<8192x1024xf32, #tpu.memory_space<hbm>> -> memref<16x1024xf32, #tpu.memory_space<hbm>>
      %dma_start3A_203 = arith.constant 0 : i32
      %dma_start3A_204 = tpu.memref_slice %arg4[%add3A_200, %dma_start3A_203] : memref<8192x1024xf32, #tpu.memory_space<hbm>> -> memref<16x1024xf32, #tpu.memory_space<hbm>>
      tpu.enqueue_dma source(%arg7 : memref<16x1024xf32, #tpu.memory_space<vmem>>) target(%dma_start3A_204 : memref<16x1024xf32, #tpu.memory_space<hbm>>) target_semaphore(%arg11 : memref<!tpu.dma_semaphore, #tpu.memory_space<semaphore_mem>>)
    }
    %scan3A_54 = arith.constant 7 : i32
    %add3A_55 = arith.constant 224 : i32
    %add3A_56 = arith.addi %mul3A_2, %add3A_55 : i32
    %dma_wait3A_57 = arith.constant 0 : i32
    %dma_wait3A_58 = tpu.memref_slice %arg4[%add3A_56, %dma_wait3A_57] : memref<8192x1024xf32, #tpu.memory_space<hbm>> -> memref<16x1024xf32, #tpu.memory_space<hbm>>
    %dma_wait3A_59 = arith.constant 0 : i32
    %dma_wait3A_60 = tpu.memref_slice %arg4[%add3A_56, %dma_wait3A_59] : memref<8192x1024xf32, #tpu.memory_space<hbm>> -> memref<16x1024xf32, #tpu.memory_space<hbm>>
    tpu.wait_dma2 semaphore(%arg11 : memref<!tpu.dma_semaphore, #tpu.memory_space<semaphore_mem>>) src(%arg7 : memref<16x1024xf32, #tpu.memory_space<vmem>>) dst(%dma_wait3A_60 : memref<16x1024xf32, #tpu.memory_space<hbm>>)
    %add3A_61 = arith.constant 240 : i32
    %add3A_62 = arith.addi %mul3A_2, %add3A_61 : i32
    %dma_wait3A_63 = arith.constant 0 : i32
    %dma_wait3A_64 = tpu.memref_slice %arg3[%add3A_62, %dma_wait3A_63] : memref<8192x1024xf32, #tpu.memory_space<hbm>> -> memref<16x1024xf32, #tpu.memory_space<hbm>>
    %dma_wait3A_65 = arith.constant 0 : i32
    %dma_wait3A_66 = tpu.memref_slice %arg3[%add3A_62, %dma_wait3A_65] : memref<8192x1024xf32, #tpu.memory_space<hbm>> -> memref<16x1024xf32, #tpu.memory_space<hbm>>
    tpu.wait_dma2 semaphore(%arg10 : memref<!tpu.dma_semaphore, #tpu.memory_space<semaphore_mem>>) src(%dma_wait3A_66 : memref<16x1024xf32, #tpu.memory_space<hbm>>) dst(%arg6 : memref<16x1024xf32, #tpu.memory_space<vmem>>)
    %dma_wait3A_67 = arith.constant 3 : i32
    %dma_wait3A_68 = arith.constant 0 : i32
    %dma_wait3A_69 = tpu.memref_slice %arg2[%dma_wait3A_67, %add3A_62, %dma_wait3A_68] : memref<4x8192x1024xf32, #tpu.memory_space<hbm>> -> memref<1x16x1024xf32, #tpu.memory_space<hbm>>
    %dma_wait3A_70 = tpu.memref_squeeze %dma_wait3A_69 : memref<1x16x1024xf32, #tpu.memory_space<hbm>> -> memref<16x1024xf32, #tpu.memory_space<hbm>>
    %dma_wait3A_71 = arith.constant 0 : i32
    %dma_wait3A_72 = tpu.memref_slice %arg2[%dma_wait3A_67, %add3A_62, %dma_wait3A_71] : memref<4x8192x1024xf32, #tpu.memory_space<hbm>> -> memref<1x16x1024xf32, #tpu.memory_space<hbm>>
    %dma_wait3A_73 = tpu.memref_squeeze %dma_wait3A_72 : memref<1x16x1024xf32, #tpu.memory_space<hbm>> -> memref<16x1024xf32, #tpu.memory_space<hbm>>
    tpu.wait_dma2 semaphore(%arg10 : memref<!tpu.dma_semaphore, #tpu.memory_space<semaphore_mem>>) src(%dma_wait3A_73 : memref<16x1024xf32, #tpu.memory_space<hbm>>) dst(%arg8 : memref<16x1024xf32, #tpu.memory_space<vmem>>)
    %scan3A_74 = arith.constant 0 : i32
    %scan3A_75 = arith.constant 1024 : i32
    %scan3A_76 = arith.addi %scan3A_74, %scan3A_75 : i32
    %scan3A_77 = arith.constant 8 : i32
    scf.for %scan3A_91 = %scan3A_74 to %scan3A_76 step %scan3A_77  : i32 {
      %jit3A = arith.constant 64 : i32
      %div3A = arith.divsi %scan3A_91, %jit3A : i32
      %sign3A = arith.constant 0 : i32
      %sign3A_92 = arith.cmpi sgt, %scan3A_91, %sign3A : i32
      %sign3A_93 = arith.extui %sign3A_92 : i1 to i32
      %sign3A_94 = arith.constant 0 : i32
      %sign3A_95 = arith.cmpi slt, %scan3A_91, %sign3A_94 : i32
      %sign3A_96 = arith.extui %sign3A_95 : i1 to i32
      %sign3A_97 = arith.subi %sign3A_93, %sign3A_96 : i32
      %sign3A_98 = arith.constant 0 : i32
      %sign3A_99 = arith.cmpi sgt, %jit3A, %sign3A_98 : i32
      %sign3A_100 = arith.extui %sign3A_99 : i1 to i32
      %sign3A_101 = arith.constant 0 : i32
      %sign3A_102 = arith.cmpi slt, %jit3A, %sign3A_101 : i32
      %sign3A_103 = arith.extui %sign3A_102 : i1 to i32
      %sign3A_104 = arith.subi %sign3A_100, %sign3A_103 : i32
      %ne3A = arith.cmpi ne, %sign3A_97, %sign3A_104 : i32
      %rem3A = arith.remsi %scan3A_91, %jit3A : i32
      %ne3A_105 = arith.constant 0 : i32
      %ne3A_106 = arith.cmpi ne, %rem3A, %ne3A_105 : i32
      %and3A = arith.andi %ne3A, %ne3A_106 : i1
      %sub3A = arith.constant 1 : i32
      %sub3A_107 = arith.subi %div3A, %sub3A : i32
      %select_n3A = arith.select %and3A, %sub3A_107, %div3A : i32
      %jit3A_108 = arith.constant 64 : i32
      %eq3A = arith.constant 0 : i32
      %eq3A_109 = arith.cmpi eq, %jit3A_108, %eq3A : i32
      %jit3A_110 = arith.constant 1 : i32
      %select_n3A_111 = arith.select %eq3A_109, %jit3A_110, %jit3A_108 : i32
      %rem3A_112 = arith.remsi %scan3A_91, %select_n3A_111 : i32
      %ne3A_113 = arith.constant 0 : i32
      %ne3A_114 = arith.cmpi ne, %rem3A_112, %ne3A_113 : i32
      %lt3A = arith.constant 0 : i32
      %lt3A_115 = arith.cmpi slt, %rem3A_112, %lt3A : i32
      %lt3A_116 = arith.constant 0 : i32
      %lt3A_117 = arith.cmpi slt, %select_n3A_111, %lt3A_116 : i32
      %ne3A_118 = arith.xori %lt3A_115, %lt3A_117 : i1
      %and3A_119 = arith.andi %ne3A_118, %ne3A_114 : i1
      %add3A_120 = arith.addi %rem3A_112, %select_n3A_111 : i32
      %select_n3A_121 = arith.select %and3A_119, %add3A_120, %rem3A_112 : i32
      %mul3A_122 = arith.constant 16 : i32
      %mul3A_123 = arith.muli %select_n3A_121, %mul3A_122 : i32
      %get3A = arith.index_cast %select_n3A : i32 to index
      %get3A_124 = arith.index_cast %mul3A_123 : i32 to index
      %get3A_125 = tpu.vector_load %arg8[%get3A, %get3A_124] {strides = array<i32>} : memref<16x1024xf32, #tpu.memory_space<vmem>>, vector<1x16xf32>,
      %get3A_126 = vector.shape_cast %get3A_125 : vector<1x16xf32> to vector<16xf32>
      %get3A_127 = arith.index_cast %select_n3A : i32 to index
      %get3A_128 = arith.index_cast %mul3A_123 : i32 to index
      %get3A_129 = tpu.vector_load %arg6[%get3A_127, %get3A_128] {strides = array<i32>} : memref<16x1024xf32, #tpu.memory_space<vmem>>, vector<1x16xf32>,
      %get3A_130 = vector.shape_cast %get3A_129 : vector<1x16xf32> to vector<16xf32>
      %add3A_131 = arith.addf %get3A_126, %get3A_130 : vector<16xf32>
      %swap3A = arith.index_cast %select_n3A : i32 to index
      %swap3A_132 = arith.index_cast %mul3A_123 : i32 to index
      %swap3A_133 = tpu.vector_load %arg8[%swap3A, %swap3A_132] {strides = array<i32>} : memref<16x1024xf32, #tpu.memory_space<vmem>>, vector<1x16xf32>,
      %swap3A_134 = vector.shape_cast %swap3A_133 : vector<1x16xf32> to vector<16xf32>
      %swap3A_135 = vector.shape_cast %add3A_131 : vector<16xf32> to vector<1x16xf32>
      tpu.vector_store %arg8[%swap3A, %swap3A_132], %swap3A_135 {strides = array<i32>} : memref<16x1024xf32, #tpu.memory_space<vmem>>, vector<1x16xf32>,
      %scan3A_136 = arith.constant 1 : i32
      %scan3A_137 = arith.addi %scan3A_91, %scan3A_136 : i32
      %jit3A_138 = arith.constant 64 : i32
      %div3A_139 = arith.divsi %scan3A_137, %jit3A_138 : i32
      %sign3A_140 = arith.constant 0 : i32
      %sign3A_141 = arith.cmpi sgt, %scan3A_137, %sign3A_140 : i32
      %sign3A_142 = arith.extui %sign3A_141 : i1 to i32
      %sign3A_143 = arith.constant 0 : i32
      %sign3A_144 = arith.cmpi slt, %scan3A_137, %sign3A_143 : i32
      %sign3A_145 = arith.extui %sign3A_144 : i1 to i32
      %sign3A_146 = arith.subi %sign3A_142, %sign3A_145 : i32
      %sign3A_147 = arith.constant 0 : i32
      %sign3A_148 = arith.cmpi sgt, %jit3A_138, %sign3A_147 : i32
      %sign3A_149 = arith.extui %sign3A_148 : i1 to i32
      %sign3A_150 = arith.constant 0 : i32
      %sign3A_151 = arith.cmpi slt, %jit3A_138, %sign3A_150 : i32
      %sign3A_152 = arith.extui %sign3A_151 : i1 to i32
      %sign3A_153 = arith.subi %sign3A_149, %sign3A_152 : i32
      %ne3A_154 = arith.cmpi ne, %sign3A_146, %sign3A_153 : i32
      %rem3A_155 = arith.remsi %scan3A_137, %jit3A_138 : i32
      %ne3A_156 = arith.constant 0 : i32
      %ne3A_157 = arith.cmpi ne, %rem3A_155, %ne3A_156 : i32
      %and3A_158 = arith.andi %ne3A_154, %ne3A_157 : i1
      %sub3A_159 = arith.constant 1 : i32
      %sub3A_160 = arith.subi %div3A_139, %sub3A_159 : i32
      %select_n3A_161 = arith.select %and3A_158, %sub3A_160, %div3A_139 : i32
      %jit3A_162 = arith.constant 64 : i32
      %eq3A_163 = arith.constant 0 : i32
      %eq3A_164 = arith.cmpi eq, %jit3A_162, %eq3A_163 : i32
      %jit3A_165 = arith.constant 1 : i32
      %select_n3A_166 = arith.select %eq3A_164, %jit3A_165, %jit3A_162 : i32
      %rem3A_167 = arith.remsi %scan3A_137, %select_n3A_166 : i32
      %ne3A_168 = arith.constant 0 : i32
      %ne3A_169 = arith.cmpi ne, %rem3A_167, %ne3A_168 : i32
      %lt3A_170 = arith.constant 0 : i32
      %lt3A_171 = arith.cmpi slt, %rem3A_167, %lt3A_170 : i32
      %lt3A_172 = arith.constant 0 : i32
      %lt3A_173 = arith.cmpi slt, %select_n3A_166, %lt3A_172 : i32
      %ne3A_174 = arith.xori %lt3A_171, %lt3A_173 : i1
      %and3A_175 = arith.andi %ne3A_174, %ne3A_169 : i1
      %add3A_176 = arith.addi %rem3A_167, %select_n3A_166 : i32
      %select_n3A_177 = arith.select %and3A_175, %add3A_176, %rem3A_167 : i32
      %mul3A_178 = arith.constant 16 : i32
      %mul3A_179 = arith.muli %select_n3A_177, %mul3A_178 : i32
      %get3A_180 = arith.index_cast %select_n3A_161 : i32 to index
      %get3A_181 = arith.index_cast %mul3A_179 : i32 to index
      %get3A_182 = tpu.vector_load %arg8[%get3A_180, %get3A_181] {strides = array<i32>} : memref<16x1024xf32, #tpu.memory_space<vmem>>, vector<1x16xf32>,
      %get3A_183 = vector.shape_cast %get3A_182 : vector<1x16xf32> to vector<16xf32>
      %get3A_184 = arith.index_cast %select_n3A_161 : i32 to index
      %get3A_185 = arith.index_cast %mul3A_179 : i32 to index
      %get3A_186 = tpu.vector_load %arg6[%get3A_184, %get3A_185] {strides = array<i32>} : memref<16x1024xf32, #tpu.memory_space<vmem>>, vector<1x16xf32>,
      %get3A_187 = vector.shape_cast %get3A_186 : vector<1x16xf32> to vector<16xf32>
      %add3A_188 = arith.addf %get3A_183, %get3A_187 : vector<16xf32>
      %swap3A_189 = arith.index_cast %select_n3A_161 : i32 to index
      %swap3A_190 = arith.index_cast %mul3A_179 : i32 to index
      %swap3A_191 = tpu.vector_load %arg8[%swap3A_189, %swap3A_190] {strides = array<i32>} : memref<16x1024xf32, #tpu.memory_space<vmem>>, vector<1x16xf32>,
      %swap3A_192 = vector.shape_cast %swap3A_191 : vector<1x16xf32> to vector<16xf32>
      %swap3A_193 = vector.shape_cast %add3A_188 : vector<16xf32> to vector<1x16xf32>
      tpu.vector_store %arg8[%swap3A_189, %swap3A_190], %swap3A_193 {strides = array<i32>} : memref<16x1024xf32, #tpu.memory_space<vmem>>, vector<1x16xf32>,
      %scan3A_194 = arith.constant 2 : i32
      %scan3A_195 = arith.addi %scan3A_91, %scan3A_194 : i32
      %jit3A_196 = arith.constant 64 : i32
      %div3A_197 = arith.divsi %scan3A_195, %jit3A_196 : i32
      %sign3A_198 = arith.constant 0 : i32
      %sign3A_199 = arith.cmpi sgt, %scan3A_195, %sign3A_198 : i32
      %sign3A_200 = arith.extui %sign3A_199 : i1 to i32
      %sign3A_201 = arith.constant 0 : i32
      %sign3A_202 = arith.cmpi slt, %scan3A_195, %sign3A_201 : i32
      %sign3A_203 = arith.extui %sign3A_202 : i1 to i32
      %sign3A_204 = arith.subi %sign3A_200, %sign3A_203 : i32
      %sign3A_205 = arith.constant 0 : i32
      %sign3A_206 = arith.cmpi sgt, %jit3A_196, %sign3A_205 : i32
      %sign3A_207 = arith.extui %sign3A_206 : i1 to i32
      %sign3A_208 = arith.constant 0 : i32
      %sign3A_209 = arith.cmpi slt, %jit3A_196, %sign3A_208 : i32
      %sign3A_210 = arith.extui %sign3A_209 : i1 to i32
      %sign3A_211 = arith.subi %sign3A_207, %sign3A_210 : i32
      %ne3A_212 = arith.cmpi ne, %sign3A_204, %sign3A_211 : i32
      %rem3A_213 = arith.remsi %scan3A_195, %jit3A_196 : i32
      %ne3A_214 = arith.constant 0 : i32
      %ne3A_215 = arith.cmpi ne, %rem3A_213, %ne3A_214 : i32
      %and3A_216 = arith.andi %ne3A_212, %ne3A_215 : i1
      %sub3A_217 = arith.constant 1 : i32
      %sub3A_218 = arith.subi %div3A_197, %sub3A_217 : i32
      %select_n3A_219 = arith.select %and3A_216, %sub3A_218, %div3A_197 : i32
      %jit3A_220 = arith.constant 64 : i32
      %eq3A_221 = arith.constant 0 : i32
      %eq3A_222 = arith.cmpi eq, %jit3A_220, %eq3A_221 : i32
      %jit3A_223 = arith.constant 1 : i32
      %select_n3A_224 = arith.select %eq3A_222, %jit3A_223, %jit3A_220 : i32
      %rem3A_225 = arith.remsi %scan3A_195, %select_n3A_224 : i32
      %ne3A_226 = arith.constant 0 : i32
      %ne3A_227 = arith.cmpi ne, %rem3A_225, %ne3A_226 : i32
      %lt3A_228 = arith.constant 0 : i32
      %lt3A_229 = arith.cmpi slt, %rem3A_225, %lt3A_228 : i32
      %lt3A_230 = arith.constant 0 : i32
      %lt3A_231 = arith.cmpi slt, %select_n3A_224, %lt3A_230 : i32
      %ne3A_232 = arith.xori %lt3A_229, %lt3A_231 : i1
      %and3A_233 = arith.andi %ne3A_232, %ne3A_227 : i1
      %add3A_234 = arith.addi %rem3A_225, %select_n3A_224 : i32
      %select_n3A_235 = arith.select %and3A_233, %add3A_234, %rem3A_225 : i32
      %mul3A_236 = arith.constant 16 : i32
      %mul3A_237 = arith.muli %select_n3A_235, %mul3A_236 : i32
      %get3A_238 = arith.index_cast %select_n3A_219 : i32 to index
      %get3A_239 = arith.index_cast %mul3A_237 : i32 to index
      %get3A_240 = tpu.vector_load %arg8[%get3A_238, %get3A_239] {strides = array<i32>} : memref<16x1024xf32, #tpu.memory_space<vmem>>, vector<1x16xf32>,
      %get3A_241 = vector.shape_cast %get3A_240 : vector<1x16xf32> to vector<16xf32>
      %get3A_242 = arith.index_cast %select_n3A_219 : i32 to index
      %get3A_243 = arith.index_cast %mul3A_237 : i32 to index
      %get3A_244 = tpu.vector_load %arg6[%get3A_242, %get3A_243] {strides = array<i32>} : memref<16x1024xf32, #tpu.memory_space<vmem>>, vector<1x16xf32>,
      %get3A_245 = vector.shape_cast %get3A_244 : vector<1x16xf32> to vector<16xf32>
      %add3A_246 = arith.addf %get3A_241, %get3A_245 : vector<16xf32>
      %swap3A_247 = arith.index_cast %select_n3A_219 : i32 to index
      %swap3A_248 = arith.index_cast %mul3A_237 : i32 to index
      %swap3A_249 = tpu.vector_load %arg8[%swap3A_247, %swap3A_248] {strides = array<i32>} : memref<16x1024xf32, #tpu.memory_space<vmem>>, vector<1x16xf32>,
      %swap3A_250 = vector.shape_cast %swap3A_249 : vector<1x16xf32> to vector<16xf32>
      %swap3A_251 = vector.shape_cast %add3A_246 : vector<16xf32> to vector<1x16xf32>
      tpu.vector_store %arg8[%swap3A_247, %swap3A_248], %swap3A_251 {strides = array<i32>} : memref<16x1024xf32, #tpu.memory_space<vmem>>, vector<1x16xf32>,
      %scan3A_252 = arith.constant 3 : i32
      %scan3A_253 = arith.addi %scan3A_91, %scan3A_252 : i32
      %jit3A_254 = arith.constant 64 : i32
      %div3A_255 = arith.divsi %scan3A_253, %jit3A_254 : i32
      %sign3A_256 = arith.constant 0 : i32
      %sign3A_257 = arith.cmpi sgt, %scan3A_253, %sign3A_256 : i32
      %sign3A_258 = arith.extui %sign3A_257 : i1 to i32
      %sign3A_259 = arith.constant 0 : i32
      %sign3A_260 = arith.cmpi slt, %scan3A_253, %sign3A_259 : i32
      %sign3A_261 = arith.extui %sign3A_260 : i1 to i32
      %sign3A_262 = arith.subi %sign3A_258, %sign3A_261 : i32
      %sign3A_263 = arith.constant 0 : i32
      %sign3A_264 = arith.cmpi sgt, %jit3A_254, %sign3A_263 : i32
      %sign3A_265 = arith.extui %sign3A_264 : i1 to i32
      %sign3A_266 = arith.constant 0 : i32
      %sign3A_267 = arith.cmpi slt, %jit3A_254, %sign3A_266 : i32
      %sign3A_268 = arith.extui %sign3A_267 : i1 to i32
      %sign3A_269 = arith.subi %sign3A_265, %sign3A_268 : i32
      %ne3A_270 = arith.cmpi ne, %sign3A_262, %sign3A_269 : i32
      %rem3A_271 = arith.remsi %scan3A_253, %jit3A_254 : i32
      %ne3A_272 = arith.constant 0 : i32
      %ne3A_273 = arith.cmpi ne, %rem3A_271, %ne3A_272 : i32
      %and3A_274 = arith.andi %ne3A_270, %ne3A_273 : i1
      %sub3A_275 = arith.constant 1 : i32
      %sub3A_276 = arith.subi %div3A_255, %sub3A_275 : i32
      %select_n3A_277 = arith.select %and3A_274, %sub3A_276, %div3A_255 : i32
      %jit3A_278 = arith.constant 64 : i32
      %eq3A_279 = arith.constant 0 : i32
      %eq3A_280 = arith.cmpi eq, %jit3A_278, %eq3A_279 : i32
      %jit3A_281 = arith.constant 1 : i32
      %select_n3A_282 = arith.select %eq3A_280, %jit3A_281, %jit3A_278 : i32
      %rem3A_283 = arith.remsi %scan3A_253, %select_n3A_282 : i32
      %ne3A_284 = arith.constant 0 : i32
      %ne3A_285 = arith.cmpi ne, %rem3A_283, %ne3A_284 : i32
      %lt3A_286 = arith.constant 0 : i32
      %lt3A_287 = arith.cmpi slt, %rem3A_283, %lt3A_286 : i32
      %lt3A_288 = arith.constant 0 : i32
      %lt3A_289 = arith.cmpi slt, %select_n3A_282, %lt3A_288 : i32
      %ne3A_290 = arith.xori %lt3A_287, %lt3A_289 : i1
      %and3A_291 = arith.andi %ne3A_290, %ne3A_285 : i1
      %add3A_292 = arith.addi %rem3A_283, %select_n3A_282 : i32
      %select_n3A_293 = arith.select %and3A_291, %add3A_292, %rem3A_283 : i32
      %mul3A_294 = arith.constant 16 : i32
      %mul3A_295 = arith.muli %select_n3A_293, %mul3A_294 : i32
      %get3A_296 = arith.index_cast %select_n3A_277 : i32 to index
      %get3A_297 = arith.index_cast %mul3A_295 : i32 to index
      %get3A_298 = tpu.vector_load %arg8[%get3A_296, %get3A_297] {strides = array<i32>} : memref<16x1024xf32, #tpu.memory_space<vmem>>, vector<1x16xf32>,
      %get3A_299 = vector.shape_cast %get3A_298 : vector<1x16xf32> to vector<16xf32>
      %get3A_300 = arith.index_cast %select_n3A_277 : i32 to index
      %get3A_301 = arith.index_cast %mul3A_295 : i32 to index
      %get3A_302 = tpu.vector_load %arg6[%get3A_300, %get3A_301] {strides = array<i32>} : memref<16x1024xf32, #tpu.memory_space<vmem>>, vector<1x16xf32>,
      %get3A_303 = vector.shape_cast %get3A_302 : vector<1x16xf32> to vector<16xf32>
      %add3A_304 = arith.addf %get3A_299, %get3A_303 : vector<16xf32>
      %swap3A_305 = arith.index_cast %select_n3A_277 : i32 to index
      %swap3A_306 = arith.index_cast %mul3A_295 : i32 to index
      %swap3A_307 = tpu.vector_load %arg8[%swap3A_305, %swap3A_306] {strides = array<i32>} : memref<16x1024xf32, #tpu.memory_space<vmem>>, vector<1x16xf32>,
      %swap3A_308 = vector.shape_cast %swap3A_307 : vector<1x16xf32> to vector<16xf32>
      %swap3A_309 = vector.shape_cast %add3A_304 : vector<16xf32> to vector<1x16xf32>
      tpu.vector_store %arg8[%swap3A_305, %swap3A_306], %swap3A_309 {strides = array<i32>} : memref<16x1024xf32, #tpu.memory_space<vmem>>, vector<1x16xf32>,
      %scan3A_310 = arith.constant 4 : i32
      %scan3A_311 = arith.addi %scan3A_91, %scan3A_310 : i32
      %jit3A_312 = arith.constant 64 : i32
      %div3A_313 = arith.divsi %scan3A_311, %jit3A_312 : i32
      %sign3A_314 = arith.constant 0 : i32
      %sign3A_315 = arith.cmpi sgt, %scan3A_311, %sign3A_314 : i32
      %sign3A_316 = arith.extui %sign3A_315 : i1 to i32
      %sign3A_317 = arith.constant 0 : i32
      %sign3A_318 = arith.cmpi slt, %scan3A_311, %sign3A_317 : i32
      %sign3A_319 = arith.extui %sign3A_318 : i1 to i32
      %sign3A_320 = arith.subi %sign3A_316, %sign3A_319 : i32
      %sign3A_321 = arith.constant 0 : i32
      %sign3A_322 = arith.cmpi sgt, %jit3A_312, %sign3A_321 : i32
      %sign3A_323 = arith.extui %sign3A_322 : i1 to i32
      %sign3A_324 = arith.constant 0 : i32
      %sign3A_325 = arith.cmpi slt, %jit3A_312, %sign3A_324 : i32
      %sign3A_326 = arith.extui %sign3A_325 : i1 to i32
      %sign3A_327 = arith.subi %sign3A_323, %sign3A_326 : i32
      %ne3A_328 = arith.cmpi ne, %sign3A_320, %sign3A_327 : i32
      %rem3A_329 = arith.remsi %scan3A_311, %jit3A_312 : i32
      %ne3A_330 = arith.constant 0 : i32
      %ne3A_331 = arith.cmpi ne, %rem3A_329, %ne3A_330 : i32
      %and3A_332 = arith.andi %ne3A_328, %ne3A_331 : i1
      %sub3A_333 = arith.constant 1 : i32
      %sub3A_334 = arith.subi %div3A_313, %sub3A_333 : i32
      %select_n3A_335 = arith.select %and3A_332, %sub3A_334, %div3A_313 : i32
      %jit3A_336 = arith.constant 64 : i32
      %eq3A_337 = arith.constant 0 : i32
      %eq3A_338 = arith.cmpi eq, %jit3A_336, %eq3A_337 : i32
      %jit3A_339 = arith.constant 1 : i32
      %select_n3A_340 = arith.select %eq3A_338, %jit3A_339, %jit3A_336 : i32
      %rem3A_341 = arith.remsi %scan3A_311, %select_n3A_340 : i32
      %ne3A_342 = arith.constant 0 : i32
      %ne3A_343 = arith.cmpi ne, %rem3A_341, %ne3A_342 : i32
      %lt3A_344 = arith.constant 0 : i32
      %lt3A_345 = arith.cmpi slt, %rem3A_341, %lt3A_344 : i32
      %lt3A_346 = arith.constant 0 : i32
      %lt3A_347 = arith.cmpi slt, %select_n3A_340, %lt3A_346 : i32
      %ne3A_348 = arith.xori %lt3A_345, %lt3A_347 : i1
      %and3A_349 = arith.andi %ne3A_348, %ne3A_343 : i1
      %add3A_350 = arith.addi %rem3A_341, %select_n3A_340 : i32
      %select_n3A_351 = arith.select %and3A_349, %add3A_350, %rem3A_341 : i32
      %mul3A_352 = arith.constant 16 : i32
      %mul3A_353 = arith.muli %select_n3A_351, %mul3A_352 : i32
      %get3A_354 = arith.index_cast %select_n3A_335 : i32 to index
      %get3A_355 = arith.index_cast %mul3A_353 : i32 to index
      %get3A_356 = tpu.vector_load %arg8[%get3A_354, %get3A_355] {strides = array<i32>} : memref<16x1024xf32, #tpu.memory_space<vmem>>, vector<1x16xf32>,
      %get3A_357 = vector.shape_cast %get3A_356 : vector<1x16xf32> to vector<16xf32>
      %get3A_358 = arith.index_cast %select_n3A_335 : i32 to index
      %get3A_359 = arith.index_cast %mul3A_353 : i32 to index
      %get3A_360 = tpu.vector_load %arg6[%get3A_358, %get3A_359] {strides = array<i32>} : memref<16x1024xf32, #tpu.memory_space<vmem>>, vector<1x16xf32>,
      %get3A_361 = vector.shape_cast %get3A_360 : vector<1x16xf32> to vector<16xf32>
      %add3A_362 = arith.addf %get3A_357, %get3A_361 : vector<16xf32>
      %swap3A_363 = arith.index_cast %select_n3A_335 : i32 to index
      %swap3A_364 = arith.index_cast %mul3A_353 : i32 to index
      %swap3A_365 = tpu.vector_load %arg8[%swap3A_363, %swap3A_364] {strides = array<i32>} : memref<16x1024xf32, #tpu.memory_space<vmem>>, vector<1x16xf32>,
      %swap3A_366 = vector.shape_cast %swap3A_365 : vector<1x16xf32> to vector<16xf32>
      %swap3A_367 = vector.shape_cast %add3A_362 : vector<16xf32> to vector<1x16xf32>
      tpu.vector_store %arg8[%swap3A_363, %swap3A_364], %swap3A_367 {strides = array<i32>} : memref<16x1024xf32, #tpu.memory_space<vmem>>, vector<1x16xf32>,
      %scan3A_368 = arith.constant 5 : i32
      %scan3A_369 = arith.addi %scan3A_91, %scan3A_368 : i32
      %jit3A_370 = arith.constant 64 : i32
      %div3A_371 = arith.divsi %scan3A_369, %jit3A_370 : i32
      %sign3A_372 = arith.constant 0 : i32
      %sign3A_373 = arith.cmpi sgt, %scan3A_369, %sign3A_372 : i32
      %sign3A_374 = arith.extui %sign3A_373 : i1 to i32
      %sign3A_375 = arith.constant 0 : i32
      %sign3A_376 = arith.cmpi slt, %scan3A_369, %sign3A_375 : i32
      %sign3A_377 = arith.extui %sign3A_376 : i1 to i32
      %sign3A_378 = arith.subi %sign3A_374, %sign3A_377 : i32
      %sign3A_379 = arith.constant 0 : i32
      %sign3A_380 = arith.cmpi sgt, %jit3A_370, %sign3A_379 : i32
      %sign3A_381 = arith.extui %sign3A_380 : i1 to i32
      %sign3A_382 = arith.constant 0 : i32
      %sign3A_383 = arith.cmpi slt, %jit3A_370, %sign3A_382 : i32
      %sign3A_384 = arith.extui %sign3A_383 : i1 to i32
      %sign3A_385 = arith.subi %sign3A_381, %sign3A_384 : i32
      %ne3A_386 = arith.cmpi ne, %sign3A_378, %sign3A_385 : i32
      %rem3A_387 = arith.remsi %scan3A_369, %jit3A_370 : i32
      %ne3A_388 = arith.constant 0 : i32
      %ne3A_389 = arith.cmpi ne, %rem3A_387, %ne3A_388 : i32
      %and3A_390 = arith.andi %ne3A_386, %ne3A_389 : i1
      %sub3A_391 = arith.constant 1 : i32
      %sub3A_392 = arith.subi %div3A_371, %sub3A_391 : i32
      %select_n3A_393 = arith.select %and3A_390, %sub3A_392, %div3A_371 : i32
      %jit3A_394 = arith.constant 64 : i32
      %eq3A_395 = arith.constant 0 : i32
      %eq3A_396 = arith.cmpi eq, %jit3A_394, %eq3A_395 : i32
      %jit3A_397 = arith.constant 1 : i32
      %select_n3A_398 = arith.select %eq3A_396, %jit3A_397, %jit3A_394 : i32
      %rem3A_399 = arith.remsi %scan3A_369, %select_n3A_398 : i32
      %ne3A_400 = arith.constant 0 : i32
      %ne3A_401 = arith.cmpi ne, %rem3A_399, %ne3A_400 : i32
      %lt3A_402 = arith.constant 0 : i32
      %lt3A_403 = arith.cmpi slt, %rem3A_399, %lt3A_402 : i32
      %lt3A_404 = arith.constant 0 : i32
      %lt3A_405 = arith.cmpi slt, %select_n3A_398, %lt3A_404 : i32
      %ne3A_406 = arith.xori %lt3A_403, %lt3A_405 : i1
      %and3A_407 = arith.andi %ne3A_406, %ne3A_401 : i1
      %add3A_408 = arith.addi %rem3A_399, %select_n3A_398 : i32
      %select_n3A_409 = arith.select %and3A_407, %add3A_408, %rem3A_399 : i32
      %mul3A_410 = arith.constant 16 : i32
      %mul3A_411 = arith.muli %select_n3A_409, %mul3A_410 : i32
      %get3A_412 = arith.index_cast %select_n3A_393 : i32 to index
      %get3A_413 = arith.index_cast %mul3A_411 : i32 to index
      %get3A_414 = tpu.vector_load %arg8[%get3A_412, %get3A_413] {strides = array<i32>} : memref<16x1024xf32, #tpu.memory_space<vmem>>, vector<1x16xf32>,
      %get3A_415 = vector.shape_cast %get3A_414 : vector<1x16xf32> to vector<16xf32>
      %get3A_416 = arith.index_cast %select_n3A_393 : i32 to index
      %get3A_417 = arith.index_cast %mul3A_411 : i32 to index
      %get3A_418 = tpu.vector_load %arg6[%get3A_416, %get3A_417] {strides = array<i32>} : memref<16x1024xf32, #tpu.memory_space<vmem>>, vector<1x16xf32>,
      %get3A_419 = vector.shape_cast %get3A_418 : vector<1x16xf32> to vector<16xf32>
      %add3A_420 = arith.addf %get3A_415, %get3A_419 : vector<16xf32>
      %swap3A_421 = arith.index_cast %select_n3A_393 : i32 to index
      %swap3A_422 = arith.index_cast %mul3A_411 : i32 to index
      %swap3A_423 = tpu.vector_load %arg8[%swap3A_421, %swap3A_422] {strides = array<i32>} : memref<16x1024xf32, #tpu.memory_space<vmem>>, vector<1x16xf32>,
      %swap3A_424 = vector.shape_cast %swap3A_423 : vector<1x16xf32> to vector<16xf32>
      %swap3A_425 = vector.shape_cast %add3A_420 : vector<16xf32> to vector<1x16xf32>
      tpu.vector_store %arg8[%swap3A_421, %swap3A_422], %swap3A_425 {strides = array<i32>} : memref<16x1024xf32, #tpu.memory_space<vmem>>, vector<1x16xf32>,
      %scan3A_426 = arith.constant 6 : i32
      %scan3A_427 = arith.addi %scan3A_91, %scan3A_426 : i32
      %jit3A_428 = arith.constant 64 : i32
      %div3A_429 = arith.divsi %scan3A_427, %jit3A_428 : i32
      %sign3A_430 = arith.constant 0 : i32
      %sign3A_431 = arith.cmpi sgt, %scan3A_427, %sign3A_430 : i32
      %sign3A_432 = arith.extui %sign3A_431 : i1 to i32
      %sign3A_433 = arith.constant 0 : i32
      %sign3A_434 = arith.cmpi slt, %scan3A_427, %sign3A_433 : i32
      %sign3A_435 = arith.extui %sign3A_434 : i1 to i32
      %sign3A_436 = arith.subi %sign3A_432, %sign3A_435 : i32
      %sign3A_437 = arith.constant 0 : i32
      %sign3A_438 = arith.cmpi sgt, %jit3A_428, %sign3A_437 : i32
      %sign3A_439 = arith.extui %sign3A_438 : i1 to i32
      %sign3A_440 = arith.constant 0 : i32
      %sign3A_441 = arith.cmpi slt, %jit3A_428, %sign3A_440 : i32
      %sign3A_442 = arith.extui %sign3A_441 : i1 to i32
      %sign3A_443 = arith.subi %sign3A_439, %sign3A_442 : i32
      %ne3A_444 = arith.cmpi ne, %sign3A_436, %sign3A_443 : i32
      %rem3A_445 = arith.remsi %scan3A_427, %jit3A_428 : i32
      %ne3A_446 = arith.constant 0 : i32
      %ne3A_447 = arith.cmpi ne, %rem3A_445, %ne3A_446 : i32
      %and3A_448 = arith.andi %ne3A_444, %ne3A_447 : i1
      %sub3A_449 = arith.constant 1 : i32
      %sub3A_450 = arith.subi %div3A_429, %sub3A_449 : i32
      %select_n3A_451 = arith.select %and3A_448, %sub3A_450, %div3A_429 : i32
      %jit3A_452 = arith.constant 64 : i32
      %eq3A_453 = arith.constant 0 : i32
      %eq3A_454 = arith.cmpi eq, %jit3A_452, %eq3A_453 : i32
      %jit3A_455 = arith.constant 1 : i32
      %select_n3A_456 = arith.select %eq3A_454, %jit3A_455, %jit3A_452 : i32
      %rem3A_457 = arith.remsi %scan3A_427, %select_n3A_456 : i32
      %ne3A_458 = arith.constant 0 : i32
      %ne3A_459 = arith.cmpi ne, %rem3A_457, %ne3A_458 : i32
      %lt3A_460 = arith.constant 0 : i32
      %lt3A_461 = arith.cmpi slt, %rem3A_457, %lt3A_460 : i32
      %lt3A_462 = arith.constant 0 : i32
      %lt3A_463 = arith.cmpi slt, %select_n3A_456, %lt3A_462 : i32
      %ne3A_464 = arith.xori %lt3A_461, %lt3A_463 : i1
      %and3A_465 = arith.andi %ne3A_464, %ne3A_459 : i1
      %add3A_466 = arith.addi %rem3A_457, %select_n3A_456 : i32
      %select_n3A_467 = arith.select %and3A_465, %add3A_466, %rem3A_457 : i32
      %mul3A_468 = arith.constant 16 : i32
      %mul3A_469 = arith.muli %select_n3A_467, %mul3A_468 : i32
      %get3A_470 = arith.index_cast %select_n3A_451 : i32 to index
      %get3A_471 = arith.index_cast %mul3A_469 : i32 to index
      %get3A_472 = tpu.vector_load %arg8[%get3A_470, %get3A_471] {strides = array<i32>} : memref<16x1024xf32, #tpu.memory_space<vmem>>, vector<1x16xf32>,
      %get3A_473 = vector.shape_cast %get3A_472 : vector<1x16xf32> to vector<16xf32>
      %get3A_474 = arith.index_cast %select_n3A_451 : i32 to index
      %get3A_475 = arith.index_cast %mul3A_469 : i32 to index
      %get3A_476 = tpu.vector_load %arg6[%get3A_474, %get3A_475] {strides = array<i32>} : memref<16x1024xf32, #tpu.memory_space<vmem>>, vector<1x16xf32>,
      %get3A_477 = vector.shape_cast %get3A_476 : vector<1x16xf32> to vector<16xf32>
      %add3A_478 = arith.addf %get3A_473, %get3A_477 : vector<16xf32>
      %swap3A_479 = arith.index_cast %select_n3A_451 : i32 to index
      %swap3A_480 = arith.index_cast %mul3A_469 : i32 to index
      %swap3A_481 = tpu.vector_load %arg8[%swap3A_479, %swap3A_480] {strides = array<i32>} : memref<16x1024xf32, #tpu.memory_space<vmem>>, vector<1x16xf32>,
      %swap3A_482 = vector.shape_cast %swap3A_481 : vector<1x16xf32> to vector<16xf32>
      %swap3A_483 = vector.shape_cast %add3A_478 : vector<16xf32> to vector<1x16xf32>
      tpu.vector_store %arg8[%swap3A_479, %swap3A_480], %swap3A_483 {strides = array<i32>} : memref<16x1024xf32, #tpu.memory_space<vmem>>, vector<1x16xf32>,
      %scan3A_484 = arith.constant 7 : i32
      %scan3A_485 = arith.addi %scan3A_91, %scan3A_484 : i32
      %jit3A_486 = arith.constant 64 : i32
      %div3A_487 = arith.divsi %scan3A_485, %jit3A_486 : i32
      %sign3A_488 = arith.constant 0 : i32
      %sign3A_489 = arith.cmpi sgt, %scan3A_485, %sign3A_488 : i32
      %sign3A_490 = arith.extui %sign3A_489 : i1 to i32
      %sign3A_491 = arith.constant 0 : i32
      %sign3A_492 = arith.cmpi slt, %scan3A_485, %sign3A_491 : i32
      %sign3A_493 = arith.extui %sign3A_492 : i1 to i32
      %sign3A_494 = arith.subi %sign3A_490, %sign3A_493 : i32
      %sign3A_495 = arith.constant 0 : i32
      %sign3A_496 = arith.cmpi sgt, %jit3A_486, %sign3A_495 : i32
      %sign3A_497 = arith.extui %sign3A_496 : i1 to i32
      %sign3A_498 = arith.constant 0 : i32
      %sign3A_499 = arith.cmpi slt, %jit3A_486, %sign3A_498 : i32
      %sign3A_500 = arith.extui %sign3A_499 : i1 to i32
      %sign3A_501 = arith.subi %sign3A_497, %sign3A_500 : i32
      %ne3A_502 = arith.cmpi ne, %sign3A_494, %sign3A_501 : i32
      %rem3A_503 = arith.remsi %scan3A_485, %jit3A_486 : i32
      %ne3A_504 = arith.constant 0 : i32
      %ne3A_505 = arith.cmpi ne, %rem3A_503, %ne3A_504 : i32
      %and3A_506 = arith.andi %ne3A_502, %ne3A_505 : i1
      %sub3A_507 = arith.constant 1 : i32
      %sub3A_508 = arith.subi %div3A_487, %sub3A_507 : i32
      %select_n3A_509 = arith.select %and3A_506, %sub3A_508, %div3A_487 : i32
      %jit3A_510 = arith.constant 64 : i32
      %eq3A_511 = arith.constant 0 : i32
      %eq3A_512 = arith.cmpi eq, %jit3A_510, %eq3A_511 : i32
      %jit3A_513 = arith.constant 1 : i32
      %select_n3A_514 = arith.select %eq3A_512, %jit3A_513, %jit3A_510 : i32
      %rem3A_515 = arith.remsi %scan3A_485, %select_n3A_514 : i32
      %ne3A_516 = arith.constant 0 : i32
      %ne3A_517 = arith.cmpi ne, %rem3A_515, %ne3A_516 : i32
      %lt3A_518 = arith.constant 0 : i32
      %lt3A_519 = arith.cmpi slt, %rem3A_515, %lt3A_518 : i32
      %lt3A_520 = arith.constant 0 : i32
      %lt3A_521 = arith.cmpi slt, %select_n3A_514, %lt3A_520 : i32
      %ne3A_522 = arith.xori %lt3A_519, %lt3A_521 : i1
      %and3A_523 = arith.andi %ne3A_522, %ne3A_517 : i1
      %add3A_524 = arith.addi %rem3A_515, %select_n3A_514 : i32
      %select_n3A_525 = arith.select %and3A_523, %add3A_524, %rem3A_515 : i32
      %mul3A_526 = arith.constant 16 : i32
      %mul3A_527 = arith.muli %select_n3A_525, %mul3A_526 : i32
      %get3A_528 = arith.index_cast %select_n3A_509 : i32 to index
      %get3A_529 = arith.index_cast %mul3A_527 : i32 to index
      %get3A_530 = tpu.vector_load %arg8[%get3A_528, %get3A_529] {strides = array<i32>} : memref<16x1024xf32, #tpu.memory_space<vmem>>, vector<1x16xf32>,
      %get3A_531 = vector.shape_cast %get3A_530 : vector<1x16xf32> to vector<16xf32>
      %get3A_532 = arith.index_cast %select_n3A_509 : i32 to index
      %get3A_533 = arith.index_cast %mul3A_527 : i32 to index
      %get3A_534 = tpu.vector_load %arg6[%get3A_532, %get3A_533] {strides = array<i32>} : memref<16x1024xf32, #tpu.memory_space<vmem>>, vector<1x16xf32>,
      %get3A_535 = vector.shape_cast %get3A_534 : vector<1x16xf32> to vector<16xf32>
      %add3A_536 = arith.addf %get3A_531, %get3A_535 : vector<16xf32>
      %swap3A_537 = arith.index_cast %select_n3A_509 : i32 to index
      %swap3A_538 = arith.index_cast %mul3A_527 : i32 to index
      %swap3A_539 = tpu.vector_load %arg8[%swap3A_537, %swap3A_538] {strides = array<i32>} : memref<16x1024xf32, #tpu.memory_space<vmem>>, vector<1x16xf32>,
      %swap3A_540 = vector.shape_cast %swap3A_539 : vector<1x16xf32> to vector<16xf32>
      %swap3A_541 = vector.shape_cast %add3A_536 : vector<16xf32> to vector<1x16xf32>
      tpu.vector_store %arg8[%swap3A_537, %swap3A_538], %swap3A_541 {strides = array<i32>} : memref<16x1024xf32, #tpu.memory_space<vmem>>, vector<1x16xf32>,
    }
    %scan3A_78 = arith.constant 1024 : i32
    %add3A_79 = arith.constant 240 : i32
    %add3A_80 = arith.addi %mul3A_2, %add3A_79 : i32
    %dma_start3A_81 = arith.constant 0 : i32
    %dma_start3A_82 = tpu.memref_slice %arg4[%add3A_80, %dma_start3A_81] : memref<8192x1024xf32, #tpu.memory_space<hbm>> -> memref<16x1024xf32, #tpu.memory_space<hbm>>
    %dma_start3A_83 = arith.constant 0 : i32
    %dma_start3A_84 = tpu.memref_slice %arg4[%add3A_80, %dma_start3A_83] : memref<8192x1024xf32, #tpu.memory_space<hbm>> -> memref<16x1024xf32, #tpu.memory_space<hbm>>
    tpu.enqueue_dma source(%arg8 : memref<16x1024xf32, #tpu.memory_space<vmem>>) target(%dma_start3A_84 : memref<16x1024xf32, #tpu.memory_space<hbm>>) target_semaphore(%arg12 : memref<!tpu.dma_semaphore, #tpu.memory_space<semaphore_mem>>)
    %add3A_85 = arith.constant 240 : i32
    %add3A_86 = arith.addi %mul3A_2, %add3A_85 : i32
    %dma_wait3A_87 = arith.constant 0 : i32
    %dma_wait3A_88 = tpu.memref_slice %arg4[%add3A_86, %dma_wait3A_87] : memref<8192x1024xf32, #tpu.memory_space<hbm>> -> memref<16x1024xf32, #tpu.memory_space<hbm>>
    %dma_wait3A_89 = arith.constant 0 : i32
    %dma_wait3A_90 = tpu.memref_slice %arg4[%add3A_86, %dma_wait3A_89] : memref<8192x1024xf32, #tpu.memory_space<hbm>> -> memref<16x1024xf32, #tpu.memory_space<hbm>>
    tpu.wait_dma2 semaphore(%arg12 : memref<!tpu.dma_semaphore, #tpu.memory_space<semaphore_mem>>) src(%arg8 : memref<16x1024xf32, #tpu.memory_space<vmem>>) dst(%dma_wait3A_90 : memref<16x1024xf32, #tpu.memory_space<hbm>>)
    return
  }
}

module attributes {stable_mosaic.version = 14 : i64} {
  func.func @_tc_kernel(%arg0: i32, %arg1: memref<3x512x1024xf32, #tpu.memory_space<vmem>>, %arg2: memref<512x1024xf32, #tpu.memory_space<vmem>>, %arg3: memref<3x512x1024xf32, #tpu.memory_space<vmem>>) attributes {dimension_semantics = [#tpu.dimension_semantics<arbitrary>], iteration_bounds = array<i64: 16>, scalar_prefetch = 0 : i64, scratch_operands = 0 : i64, tpu.core_type = #tpu.core_type<tc>, window_params = [{transform_indices = @transform_0, window_bounds = array<i64: 3, 512, 1024>}, {transform_indices = @transform_1, window_bounds = array<i64: 512, 1024>}, {transform_indices = @transform_2, window_bounds = array<i64: 3, 512, 1024>}]} {
    %get3A = arith.constant 0 : index
    %get3A_0 = arith.constant 0 : index
    %get3A_1 = arith.constant 0 : index
    %get3A_2 = vector.load %arg1[%get3A, %get3A_0, %get3A_1] : memref<3x512x1024xf32, #tpu.memory_space<vmem>>, vector<3x512x1024xf32>
    %get3A_3 = arith.constant 0 : index
    %get3A_4 = arith.constant 0 : index
    %get3A_5 = vector.load %arg2[%get3A_3, %get3A_4] : memref<512x1024xf32, #tpu.memory_space<vmem>>, vector<512x1024xf32>
    %broadcast_in_dim3A = vector.shape_cast %get3A_5 : vector<512x1024xf32> to vector<1x512x1024xf32>
    %add3A = vector.broadcast %broadcast_in_dim3A : vector<1x512x1024xf32> to vector<3x512x1024xf32>
    %add3A_6 = arith.addf %get3A_2, %add3A : vector<3x512x1024xf32>
    %swap3A = arith.constant 0 : index
    %swap3A_7 = arith.constant 0 : index
    %swap3A_8 = arith.constant 0 : index
    %swap3A_9 = vector.load %arg3[%swap3A, %swap3A_7, %swap3A_8] : memref<3x512x1024xf32, #tpu.memory_space<vmem>>, vector<3x512x1024xf32>
    tpu.vector_store %arg3[%swap3A, %swap3A_7, %swap3A_8], %add3A_6 {strides = array<i32>} : memref<3x512x1024xf32, #tpu.memory_space<vmem>>, vector<3x512x1024xf32>,
    return
  }
  func.func @transform_0(%arg0: i32) -> (i32, i32, i32) {
    %c0_i32 = arith.constant 0 : i32
    %c0_i32_0 = arith.constant 0 : i32
    %c0_i32_1 = arith.constant 0 : i32
    return %c0_i32, %arg0, %c0_i32_0 : i32, i32, i32
  }
  func.func @transform_1(%arg0: i32) -> (i32, i32) {
    %c0_i32 = arith.constant 0 : i32
    %c0_i32_0 = arith.constant 0 : i32
    return %arg0, %c0_i32 : i32, i32
  }
  func.func @transform_2(%arg0: i32) -> (i32, i32, i32) {
    %c0_i32 = arith.constant 0 : i32
    %c0_i32_0 = arith.constant 0 : i32
    %c0_i32_1 = arith.constant 0 : i32
    return %c0_i32, %arg0, %c0_i32_0 : i32, i32, i32
  }
}

</mosaic_0001>

<sc_bundles>
// kernel: kernel.4.cloned.1.call-start
scs
__scs_entry_jumppad:
0x0: {  	(pc) =	sbr.rel $0x88, $3  }
0x1: {  	(tag) =	ssettag $0x0;
	lr =	simm.s32 $0x1  }
0x2: {  	[smem:$0x3F9F] =	sst lr;
	_ =	strace $0xD0000000  }
0x3: {  	_ = 	snop  }
0x4: {  	_ = 	snop  }
0x5: {  	_ = 	snop  }
0x6: {  	_ = 	snop  }
0x7: {  	_ = 	snop  }
__scs_overlays_trampoline_lowered:
0x8: {  	[smem:$0x3FAE] =	sst s0  }
0x9: {  	[smem:$0x3FAF] =	sst s1  }
0xa: {  	[smem:$0x3FB0] =	sst s2  }
0xb: {  	[smem:$0x3FB1] =	sst s3  }
0xc: {  	[smem:$0x3FB2] =	sst s4  }
0xd: {  	[smem:$0x3FB3] =	sst s5  }
0xe: {  	[smem:$0x3FB4] =	sst s6  }
0xf: {  	[smem:$0x3FB5] =	sst s7  }
0x10: {  	[smem:$0x3FB6] =	sst s8  }
0x11: {  	[smem:$0x3FB7] =	sst s9;
	s0 =	simm.s32 @!p0 $0x0  }
0x12: {  	s1 =	sld [smem:$0x3F9D];
	s0 =	simm.s32 @p0 $0x1  }
0x13: {  	[smem:$0x3FB8] =	sst s0;
	s0 =	simm.s32 @!p1 $0x0  }
0x14: {  	s2 =	sld [smem:$0x3F9C];
	s0 =	simm.s32 @p1 $0x1  }
0x15: {  	[smem:$0x3FB9] =	sst s0;
	s0 =	simm.s32 @!p2 $0x0  }
0x16: {  	s3 =	sld [smem:$0x3FDB];
	s0 =	simm.s32 @p2 $0x1  }
0x17: {  	s4 =	simm.s32 $0x1BF5;
	[smem:$0x3FBB] =	sst s0  }
0x18: {  	s0 =	sld [smem:$0x3F9E];
	_ =	swait.ge [sflag:s4], $0x0  }
0x19: {  	s7 =	sld [smem:$0x3F9F]  }
0x1a: {  	s8 =	sadd.s32 $0xFFFFE003, lr  }
0x1b: {  	s9 =	sadd.s32 $0xFFFFFEF7, lr;
	s5 =	simm.s32 $0xFFFFFFFF;
	p2 =	slt.u32 s8, $0xFFFFF086  }
0x1c: {  	p1 =	slt.u32 s9, $0xF7A;
	s5 =	simm.s32 @!p2 $0x0  }
0x1d: {  	s5 =	simm.s32 @p1 $0x1;
	p0 =	seq.s32 s7, s2  }
0x1e: {  	s7 =	smul.u32 @!p0 $0xF7A, s2;
	p2 =	seq.s32 @!p0 s5, $0x0  }
0x1f: {  	s9 =	smul.u32 $0xF7A, s1;
	s8 =	simm.s32 @!p0 $0x1BF5;
	p2 =	por !p2, p0  }
0x20: {  	[sflag:s8] =	ssyncset.s32 @!p0 $0xFFFFF086;
	s6 =	sadd.s32 @!p0 s3, s7;
	s7 =	simm.s32 @!p0 $0x108  }
0x21: {  	s3 =	sadd.s32 s3, s9;
	s6 =	sadd.s32 @!p0 $0x88, s6;
	s7 =	simm.s32 @p2 $0x1082  }
0x22: {  	[simem:s7], [sflag:s8] =	dma.local @!p0 [hbm:s6], $0xF7A  }
0x23: {  	s9 =	sor.u32 $0xD0000000, s2;
	s6 =	simm.s32 $0x108;
	_ =	swait.ge @!p0 [sflag:s8], $0x0  }
0x24: {  	s3 =	sadd.s32 $0x88, s3;
	s6 =	simm.s32 @!p1 $0x1082;
	[sflag:s4] =	ssyncset.s32 $0xFFFFF086  }
0x25: {  	[simem:s6], [sflag:s4] =	dma.local [hbm:s3], $0xF7A  }
0x26: {  	[smem:$0x3F9F] =	sst s1;
	(tag) =	ssettag s2;
	_ =	strace s9  }
0x27: {  	s1 =	sld [smem:$0x3FAF]  }
0x28: {  	s2 =	sld [smem:$0x3FB0]  }
0x29: {  	s4 =	sld [smem:$0x3FB2]  }
0x2a: {  	p0 =	seq.s32 s5, $0x0;
	s5 =	sld [smem:$0x3FB3]  }
0x2b: {  	s6 =	sld [smem:$0x3FB4]  }
0x2c: {  	s7 =	sld [smem:$0x3FB5]  }
0x2d: {  	s3 =	simm.s32 $0x108;
	s8 =	sld [smem:$0x3FB6]  }
0x2e: {  	s3 =	simm.s32 @!p0 $0x1082;
	s9 =	sld [smem:$0x3FB7]  }
0x2f: {  	lr =	sadd.s32 s0, s3;
	s0 =	sld [smem:$0x3FAE]  }
0x30: {  	s3 =	sld [smem:$0x3FB1]  }
0x31: {  	[smem:$0x3FBA] =	sst s10  }
0x32: {  	s10 =	sld [smem:$0x3FB8];
	_ =	sdelay $0x3  }
0x33: {  	p0 =	seq.s32 s10, $0x1;
	s10 =	sld [smem:$0x3FBA];
	_ =	sdelay $0x3  }
0x34: {  	[smem:$0x3FBA] =	sst s10  }
0x35: {  	s10 =	sld [smem:$0x3FB9];
	_ =	sdelay $0x3  }
0x36: {  	p1 =	seq.s32 s10, $0x1;
	s10 =	sld [smem:$0x3FBA];
	_ =	sdelay $0x3  }
0x37: {  	[smem:$0x3FBA] =	sst s10  }
0x38: {  	s10 =	sld [smem:$0x3FBB]  }
0x39: {  	_ = 	snop;
	(pc) =	sbr.ind lr, $3  }
0x3a: {  	_ = 	snop  }
0x3b: {  	_ = 	snop  }
0x3c: {  	p2 =	seq.s32 s10, $0x1;
	s10 =	sld [smem:$0x3FBA]  }
0x3d: {  	_ =	shalt  }
0x3e: {  	_ =	shalt  }
0x3f: {  	_ =	shalt  }
0x40: {  	_ =	shalt  }
0x41: {  	_ =	shalt  }
0x42: {  	_ =	shalt  }
0x43: {  	_ =	shalt  }
0x44: {  	_ =	shalt  }
0x45: {  	_ =	shalt  }
0x46: {  	_ =	shalt  }
0x47: {  	_ =	shalt  }
0x48: {  	_ =	shalt  }
0x49: {  	_ =	shalt  }
0x4a: {  	_ =	shalt  }
0x4b: {  	_ =	shalt  }
0x4c: {  	_ =	shalt  }
0x4d: {  	_ =	shalt  }
0x4e: {  	_ =	shalt  }
0x4f: {  	_ =	shalt  }
0x50: {  	_ =	shalt  }
0x51: {  	_ =	shalt  }
0x52: {  	_ =	shalt  }
0x53: {  	_ =	shalt  }
0x54: {  	_ =	shalt  }
0x55: {  	_ =	shalt  }
0x56: {  	_ =	shalt  }
0x57: {  	_ =	shalt  }
0x58: {  	_ =	shalt  }
0x59: {  	_ =	shalt  }
0x5a: {  	_ =	shalt  }
0x5b: {  	_ =	shalt  }
0x5c: {  	_ =	shalt  }
0x5d: {  	_ =	shalt  }
0x5e: {  	_ =	shalt  }
0x5f: {  	_ =	shalt  }
0x60: {  	_ =	shalt  }
0x61: {  	_ =	shalt  }
0x62: {  	_ =	shalt  }
0x63: {  	_ =	shalt  }
0x64: {  	_ =	shalt  }
0x65: {  	_ =	shalt  }
0x66: {  	_ =	shalt  }
0x67: {  	_ =	shalt  }
0x68: {  	_ =	shalt  }
0x69: {  	_ =	shalt  }
0x6a: {  	_ =	shalt  }
0x6b: {  	_ =	shalt  }
0x6c: {  	_ =	shalt  }
0x6d: {  	_ =	shalt  }
0x6e: {  	_ =	shalt  }
0x6f: {  	_ =	shalt  }
0x70: {  	_ =	shalt  }
0x71: {  	_ =	shalt  }
0x72: {  	_ =	shalt  }
0x73: {  	_ =	shalt  }
0x74: {  	_ =	shalt  }
0x75: {  	_ =	shalt  }
0x76: {  	_ =	shalt  }
0x77: {  	_ =	shalt  }
0x78: {  	_ =	shalt  }
0x79: {  	_ =	shalt  }
0x7a: {  	_ =	shalt  }
0x7b: {  	_ =	shalt  }
0x7c: {  	_ =	shalt  }
0x7d: {  	_ =	shalt  }
0x7e: {  	_ =	shalt  }
0x7f: {  	_ =	shalt  }
0x80: {  	_ =	shalt  }
0x81: {  	_ =	shalt  }
0x82: {  	_ =	shalt  }
0x83: {  	_ =	shalt  }
0x84: {  	_ =	shalt  }
0x85: {  	_ =	shalt  }
0x86: {  	_ =	shalt  }
0x87: {  	_ =	shalt  }
.Lfunc_end0:
.L_simem_size_0:
called_computation_lowered:
.L_overlay_start_0:
0x88: {  	s2 =	sld [smem:$0x3FD9]  }
0x89: {  	s3 =	sld [smem:$0x3FFE];
	_ =	sdelay $0x1  }
0x8a: {  	s1 =	srdreg.scid  }
0x8b: {  	s0 =	sand.u32 $0x1, s1  }
0x8c: {  	s17 =	sshll.u32 s0, $0xA;
	s2 =	sadd.s32 s3, s2  }
0x8d: {  	s2 =	sadd.s32 s2, s17  }
0x8e: {  	[smem:$0x3FC6] =	sst s2  }
0x8f: {  	_ = 	snop  }
0x90: {  	s2 =	sld [smem:$0x3FC9]  }
0x91: {  	s18 =	sld [smem:$0x3FC8];
	(tm) =	ssettm $0x1  }
0x92: {  	s4 =	sld [smem:$0x3FFB];
	_ =	sdelay $0x3  }
0x93: {  	_ =	strace s4  }
0x94: {  	s4 =	sld [smem:$0x3FFC];
	_ =	sdelay $0x3  }
0x95: {  	_ =	strace s4  }
0x96: {  	s4 =	sld [smem:$0x3FFD];
	_ =	sdelay $0x3  }
0x97: {  	_ =	strace s4  }
0x98: {  	_ =	strace $0x8FFFFFFF  }
0x99: {  	s19 =	sld [smem:$0x3FDB];
	_ =	sdelay $0x1  }
0x9a: {  	s5 =	simm.s32 $_scs_section_size  }
0x9b: {  	s6 =	simm.s32 $_size__tile_overlayer_lowered;
	s7 =	simm.s32 $_tile_overlayer_lowered  }
0x9c: {  	s22 =	simm.s32 $0x1BFF;
	s21 =	sshll.u32 s7, $0x1;
	s4 =	sadd.s32 s5, s19  }
0x9d: {  	s8 =	simm.s32 $0x0;
	s20 =	sshll.u32 s6, $0x1;
	s6 =	sadd.s32 s21, s4  }
0x9e: {  	[timem:s8], [sflag:s22] =	dma.local [hbm:s6], s20  }
0x9f: {  	_ =	swait.ge [sflag:s22], s20  }
0xa0: {  	s5 =	ssub.s32 $0x0, s20;
	[sflag:s22] =	ssyncset.done $0x0  }
0xa1: {  	[sflag:s22] =	ssyncadd.s32 s5;
	_ =	sdelay $0x1  }
0xa2: {  	s23 =	simm.s32 $0x1B8B  }
0xa3: {  	_ =	swait.ge [sflag:s23], $0x1  }
0xa4: {  	[sflag:s23] =	ssyncset.done $0x0  }
0xa5: {  	s25 =	simm.s32 $0x1B8E;
	s24 =	sld [smem:$0x3FFE];
	[sflag:s23] =	ssyncadd.s32 $0xFFFFFFFF  }
0xa6: {  	s26 =	simm.s32 $execute0_lowered;
	[smem:$0x3FD2] =	sst s25  }
0xa7: {  	s6 =	sshll.u32 s26, $0x1;
	_ =	strace $0x80000046;
	[dreg:$0x1] =	wrdreg $0xFFFFFFFF  }
0xa8: {  	s28 =	simm.s32 $_size_execute0_lowered;
	s4 =	sadd.s32 s4, s6;
	[dreg:$0x0] =	wrdreg $0x0  }
0xa9: {  	s6 =	sshll.u32 s28, $0x1;
	[dreg:$0x2] =	wrdreg s4  }
0xaa: {  	[dreg:$0x3] =	wrdreg s6  }
0xab: {  	[dreg:$0x4] =	wrdreg $0xC0  }
0xac: {  	_ =	task [dreg:s8], $0x5FFFF  }
0xad: {  	[dreg:$0x1] =	wrdreg $0xFFFFFFFF  }
0xae: {  	[dreg:$0x0] =	wrdreg $0x60  }
0xaf: {  	[dreg:$0x2] =	wrdreg s2  }
0xb0: {  	[dreg:$0x3] =	wrdreg s18  }
0xb1: {  	[dreg:$0x4] =	wrdreg s24  }
0xb2: {  	[dreg:$0x5] =	wrdreg $0x9  }
0xb3: {  	_ =	task.clear_ibuf [dreg:s8], $0x6FFFF;
	_ =	strace $0x90000046  }
0xb4: {  	s29 =	simm.s32 $0x9;
	_ =	strace $0x80000048  }
0xb5: {  	_ =	swait.ge [sflag:s29], $0x1  }
0xb6: {  	[sflag:s29] =	ssyncadd.s32 $0xFFFFFFFF  }
0xb7: {  	_ =	strace $0x90000048  }
0xb8: {  	_ =	sfence  }
0xb9: {  	s30 =	sld [smem:$0x0];
	_ =	sdelay $0x2  }
0xba: {  	s31 =	sshll.u32 s1, $0xD;
	s1 =	sshrl.u32 s1, $0x2  }
0xbb: {  	s3 =	sand.u32 $0x4000, s31;
	s1 =	sadd.s32 s1, s30  }
0xbc: {  	s0 =	sor.u32 s3, s0;
	s1 =	sshll.u32 s1, $0x11  }
0xbd: {  	s0 =	sor.u32 s1, s0  }
0xbe: {  	s0 =	sadd.s32 $0x8F2B, s0  }
0xbf: {  	[sflag:s0] =	ssyncadd.remote.s32 $0x1  }
0xc0: {  	_ =	sfence.sel $0xFFFF  }
0xc1: {  	[dreg:$0x0] =	wrdreg $0xFFFFFFFF;
	(pc) =	sbr.abs _section_cstart, $3  }
0xc2: {  	[dreg:$0x1] =	wrdreg $0xFFFFFFFF  }
0xc3: {  	_ =	task.clear_ibuf [dreg:s8], $0x2FFFF;
	_ =	strace $0x9FFFFFFF  }
0xc4: {  	(tm) =	ssettm $0x7FFFFFFF  }
0xc5: {  	_ =	shalt  }
tec
execute0_lowered:
.L_overlay_start_1:
0x0: {  	(tag) =	ssettag $0x1  }
0x1: {  	s9 =	rddreg [dreg:$0x0]  }
0x2: {  	s1 =	rddreg [dreg:$0x1]  }
0x3: {  	s4 =	rddreg [dreg:$0x2];
	s3 =	simm.s32 $0x0  }
0x4: {  	s5 =	srdreg.scid;
	s0 =	stileid.u32;
	s16 =	simm.s32 $0x8000  }
0x5: {  	s17 =	simm.s32 $0x4000;
	s18 =	simm.s32 $0xC000;
	s19 =	simm.s32 $0x1  }
0x6: {  	s20 =	simm.s32 $0x3;
	s21 =	simm.s32 $0x2;
	s22 =	simm.s32 $0x4  }
0x7: {  	s23 =	simm.s32 $0x0;
	[smem:$0x7FF] =	sst s3;
	s5 =	sand.u32 $0x1, s5  }
0x8: {  	s7 =	sshll.u32 s0, $0x9;
	s6 =	ssub.s32 $0x2, s5;
	s5 =	sshll.u32 s5, $0x8  }
0x9: {  	s4 =	sadd.s32 $0x400, s4;
	s8 =	sshrl.u32 s6, $0x1;
	s5 =	sor.u32 s5, s7  }
0xa: {  	_ =	strace $0x80000047;
	s15 =	ssub.s32 s6, s8;
	s11 =	sshll.u32 s5, $0x7  }
0xb: {  	s6 =	sadd.s32 $0x300000, s9;
	s12 =	sor.u32 $0x20, s5;
	s13 =	sor.u32 $0x30, s5  }
0xc: {  	s7 =	sadd.s32 s1, s11;
	s31 =	sadd.s32 s11, s6;
	s10 =	sadd.s32 s11, s9  }
0xd: {  	s11 =	sadd.s32 s4, s11;
	s15 =	smax.u32 s15, $0x1;
	[dreg:$0x4] =	wrdreg s31  }
0xe: {  	s9 =	sadd.s32 $0x800, s7;
	s10 =	sadd.s32 $0x300800, s10;
	s14 =	sadd.s32 $0x7800, s11  }
.LBB2_1:
0xf: {  	[tilespmem:s3], [sflag:$0x1] =	stream.linear.gather [hbm4b:s7+s3], $0x4000, $0x38;
	[tilespmem:$0x10000] =	vst v63  }
0x10: {  	s0 =	rddreg [dreg:$0x4]  }
0x11: {  	[tilespmem:s16], [sflag:$0x1] =	stream.linear.gather [hbm4b:s0+s3], $0x4000, $0x38;
	[tilespmem:$0x10000] =	vst v63  }
0x12: {  	_ = 	snop  }
0x13: {  	[tilespmem:s17], [sflag:$0x2] =	stream.linear.gather [hbm4b:s9+s3], $0x4000, $0x38;
	[tilespmem:$0x10000] =	vst v63  }
0x14: {  	_ = 	snop  }
0x15: {  	[tilespmem:s18], [sflag:$0x2] =	stream.linear.gather [hbm4b:s10+s3], $0x4000, $0x38;
	[tilespmem:$0x10000] =	vst v63  }
0x16: {  	_ =	swait.ge [sflag:s19], $0x4000  }
0x17: {  	[sflag:s19] =	ssyncset.done $0x0  }
0x18: {  	s24 =	simm.s32 $0x0;
	s25 =	sand.u32 $0x1C00, s3;
	[sflag:s19] =	ssyncadd.s32 $0xFFFFC000  }
0x19: {  	s26 =	simm.s32 $0x0;
	s24 =	sand.u32 $0x2000, s24;
	_ =	swait.ge [sflag:s19], $0x4000  }
0x1a: {  	s31 =	sand.u32 $0x380, s26;
	s24 =	sor.u32 s25, s24;
	[sflag:s19] =	ssyncset.done $0x0  }
0x1b: {  	s24 =	sor.u32 s31, s24;
	[sflag:s19] =	ssyncadd.s32 $0xFFFFC000  }
0x1c: {  	v7 =	vld [tilespmem:s24+$0x0]  }
0x1d: {  	v6 =	vld [tilespmem:s24+$0x10]  }
0x1e: {  	v5 =	vld [tilespmem:s24+$0x20]  }
0x1f: {  	v4 =	vld [tilespmem:s24+$0x30]  }
0x20: {  	v3 =	vld [tilespmem:s24+$0x40]  }
0x21: {  	v2 =	vld [tilespmem:s24+$0x50]  }
0x22: {  	v1 =	vld [tilespmem:s24+$0x60]  }
0x23: {  	v0 =	vld [tilespmem:s24+$0x70]  }
0x24: {  	v10 =	vld [tilespmem:s24+$0x8000]  }
0x25: {  	v9 =	vld [tilespmem:s24+$0x8010]  }
0x26: {  	s26 =	simm.s32 $0x0;
	s25 =	simm.s32 $0x0;
	v8 =	vld [tilespmem:s24+$0x8020]  }
.LBB2_2:
0x27: {  	s25 =	sadd.s32 $0x8, s25;
	v11 =	vld [tilespmem:s24+$0x8030]  }
0x28: {  	s26 =	sadd.s32 $0x400, s26;
	s28 =	sshll.u32 s25, $0x4;
	p0 =	slt.u32 s25, $0x3F8;
	v12 =	vld [tilespmem:s24+$0x8040]  }
0x29: {  	s29 =	sand.u32 $0x1C00, s26;
	s30 =	sshll.u32 s25, $0x1;
	s28 =	sand.u32 $0x2000, s28;
	v7 =	vadd.f32 v7, v10;
	v10 =	vld [tilespmem:s24+$0x8050]  }
0x2a: {  	s28 =	sor.u32 s29, s28;
	s29 =	sand.u32 $0x380, s30;
	v6 =	vadd.f32 v6, v9;
	v9 =	vld [tilespmem:s24+$0x8060]  }
0x2b: {  	s28 =	sor.u32 s29, s28;
	[tilespmem:s24+$0x8000] =	vst v7;
	v5 =	vadd.f32 v5, v8;
	v8 =	vld [tilespmem:s24+$0x8070]  }
0x2c: {  	v7 =	vld [tilespmem:s28+$0x0];
	[tilespmem:s24+$0x8010] =	vst v6;
	v4 =	vadd.f32 v4, v11  }
0x2d: {  	v6 =	vld [tilespmem:s28+$0x10];
	[tilespmem:s24+$0x8020] =	vst v5;
	v3 =	vadd.f32 v3, v12  }
0x2e: {  	v5 =	vld [tilespmem:s28+$0x20];
	[tilespmem:s24+$0x8030] =	vst v4;
	v2 =	vadd.f32 v2, v10  }
0x2f: {  	v4 =	vld [tilespmem:s28+$0x30];
	[tilespmem:s24+$0x8040] =	vst v3;
	v1 =	vadd.f32 v1, v9  }
0x30: {  	v3 =	vld [tilespmem:s28+$0x40];
	[tilespmem:s24+$0x8050] =	vst v2;
	v0 =	vadd.f32 v0, v8  }
0x31: {  	v2 =	vld [tilespmem:s28+$0x50];
	[tilespmem:s24+$0x8060] =	vst v1  }
.Ltmp0:
0x32: {  	v1 =	vld [tilespmem:s28+$0x60];
	[tilespmem:s24+$0x8070] =	vst v0;
	s24 =	smov.u32 s28;
	(pc) =	sbr.rel @p0 .LBB2_2-.Ltmp0, $4  }
0x33: {  	v0 =	vld [tilespmem:s24+$0x70]  }
0x34: {  	v10 =	vld [tilespmem:s24+$0x8000]  }
0x35: {  	v9 =	vld [tilespmem:s24+$0x8010]  }
0x36: {  	v8 =	vld [tilespmem:s24+$0x8020]  }
0x37: {  	v11 =	vld [tilespmem:s24+$0x8030]  }
0x38: {  	v12 =	vld [tilespmem:s24+$0x8040]  }
0x39: {  	v61 =	vld [tilespmem:s24+$0x8050];
	v7 =	vadd.f32 v7, v10  }
0x3a: {  	v62 =	vld [tilespmem:s24+$0x8060];
	v6 =	vadd.f32 v6, v9  }
0x3b: {  	v63 =	vld [tilespmem:s24+$0x8070];
	[tilespmem:s24+$0x8000] =	vst v7;
	v5 =	vadd.f32 v5, v8  }
0x3c: {  	[tilespmem:s24+$0x8010] =	vst v6;
	v4 =	vadd.f32 v4, v11  }
0x3d: {  	v3 =	vadd.f32 v3, v12;
	[tilespmem:s24+$0x8020] =	vst v5  }
0x3e: {  	v2 =	vadd.f32 v2, v61;
	[tilespmem:s24+$0x8030] =	vst v4  }
0x3f: {  	v1 =	vadd.f32 v1, v62;
	[tilespmem:s24+$0x8040] =	vst v3  }
0x40: {  	v0 =	vadd.f32 v0, v63;
	[tilespmem:s24+$0x8050] =	vst v2  }
0x41: {  	[tilespmem:s24+$0x8060] =	vst v1  }
0x42: {  	s25 =	simm.s32 $0x0;
	[tilespmem:s24+$0x8070] =	vst v0;
	s24 =	simm.s32 $0x0  }
0x43: {  	[hbm4b:s11+s24] =	stream.linear.scatter [tilespmem:s16], [sflag:$0x3], $0x4000, $0x38;
	[tilespmem:$0x10000] =	vst v63  }
.LBB2_4:
0x44: {  	s28 =	sshll.u32 s25, $0x5  }
0x45: {  	_ =	swait.ge [sflag:s20], $0x4000;
	s26 =	sadd.s32 s28, s12  }
0x46: {  	[sflag:s20] =	ssyncset.done $0x0;
	s26 =	sshll.u32 s26, $0x7  }
0x47: {  	[sflag:s20] =	ssyncadd.s32 $0xFFFFC000;
	s29 =	sadd.s32 s1, s26  }
0x48: {  	[tilespmem:s24], [sflag:$0x1] =	stream.linear.gather [hbm4b:s29+s24], $0x4000, $0x38;
	[tilespmem:$0x10000] =	vst v63  }
0x49: {  	s29 =	sadd.s32 s26, s6  }
0x4a: {  	[tilespmem:s16], [sflag:$0x1] =	stream.linear.gather [hbm4b:s29+s24], $0x4000, $0x38;
	[tilespmem:$0x10000] =	vst v63  }
0x4b: {  	_ =	swait.ge [sflag:s21], $0x4000  }
0x4c: {  	[sflag:s21] =	ssyncset.done $0x0  }
0x4d: {  	s30 =	sand.u32 $0x1C00, s24;
	s29 =	simm.s32 $0x0;
	[sflag:s21] =	ssyncadd.s32 $0xFFFFC000  }
0x4e: {  	s31 =	simm.s32 $0x0;
	s29 =	sand.u32 $0x2000, s29;
	_ =	swait.ge [sflag:s21], $0x4000  }
0x4f: {  	s29 =	sor.u32 s30, s29;
	s30 =	sand.u32 $0x380, s31;
	[sflag:s21] =	ssyncset.done $0x0  }
0x50: {  	s29 =	sor.u32 s30, s29;
	[sflag:s21] =	ssyncadd.s32 $0xFFFFC000  }
0x51: {  	v7 =	vld [tilespmem:s29+$0x4000]  }
0x52: {  	v6 =	vld [tilespmem:s29+$0x4010]  }
0x53: {  	v5 =	vld [tilespmem:s29+$0x4020]  }
0x54: {  	v4 =	vld [tilespmem:s29+$0x4030]  }
0x55: {  	v3 =	vld [tilespmem:s29+$0x4040]  }
0x56: {  	v2 =	vld [tilespmem:s29+$0x4050]  }
0x57: {  	v1 =	vld [tilespmem:s29+$0x4060]  }
0x58: {  	v0 =	vld [tilespmem:s29+$0x4070]  }
0x59: {  	v10 =	vld [tilespmem:s29+$0xC000]  }
0x5a: {  	v9 =	vld [tilespmem:s29+$0xC010]  }
0x5b: {  	s31 =	simm.s32 $0x0;
	s30 =	simm.s32 $0x0;
	v8 =	vld [tilespmem:s29+$0xC020]  }
.LBB2_5:
0x5c: {  	s30 =	sadd.s32 $0x8, s30;
	v11 =	vld [tilespmem:s29+$0xC030]  }
0x5d: {  	s31 =	sadd.s32 $0x400, s31;
	s0 =	sshll.u32 s30, $0x4;
	p0 =	slt.u32 s30, $0x3F8;
	v12 =	vld [tilespmem:s29+$0xC040]  }
0x5e: {  	s2 =	sand.u32 $0x1C00, s31;
	s8 =	sshll.u32 s30, $0x1;
	s0 =	sand.u32 $0x2000, s0;
	v7 =	vadd.f32 v7, v10;
	v10 =	vld [tilespmem:s29+$0xC050]  }
0x5f: {  	s0 =	sor.u32 s2, s0;
	s2 =	sand.u32 $0x380, s8;
	v6 =	vadd.f32 v6, v9;
	v9 =	vld [tilespmem:s29+$0xC060]  }
0x60: {  	s0 =	sor.u32 s2, s0;
	[tilespmem:s29+$0xC000] =	vst v7;
	v5 =	vadd.f32 v5, v8;
	v8 =	vld [tilespmem:s29+$0xC070]  }
0x61: {  	v7 =	vld [tilespmem:s0+$0x4000];
	[tilespmem:s29+$0xC010] =	vst v6;
	v4 =	vadd.f32 v4, v11  }
0x62: {  	v6 =	vld [tilespmem:s0+$0x4010];
	[tilespmem:s29+$0xC020] =	vst v5;
	v3 =	vadd.f32 v3, v12  }
0x63: {  	v5 =	vld [tilespmem:s0+$0x4020];
	[tilespmem:s29+$0xC030] =	vst v4;
	v2 =	vadd.f32 v2, v10  }
0x64: {  	v4 =	vld [tilespmem:s0+$0x4030];
	[tilespmem:s29+$0xC040] =	vst v3;
	v1 =	vadd.f32 v1, v9  }
0x65: {  	v3 =	vld [tilespmem:s0+$0x4040];
	[tilespmem:s29+$0xC050] =	vst v2;
	v0 =	vadd.f32 v0, v8  }
0x66: {  	v2 =	vld [tilespmem:s0+$0x4050];
	[tilespmem:s29+$0xC060] =	vst v1  }
.Ltmp1:
0x67: {  	v1 =	vld [tilespmem:s0+$0x4060];
	[tilespmem:s29+$0xC070] =	vst v0;
	s29 =	smov.u32 s0;
	(pc) =	sbr.rel @p0 .LBB2_5-.Ltmp1, $4  }
0x68: {  	v0 =	vld [tilespmem:s29+$0x4070]  }
0x69: {  	v10 =	vld [tilespmem:s29+$0xC000]  }
0x6a: {  	v9 =	vld [tilespmem:s29+$0xC010]  }
0x6b: {  	v8 =	vld [tilespmem:s29+$0xC020]  }
0x6c: {  	v11 =	vld [tilespmem:s29+$0xC030]  }
0x6d: {  	v12 =	vld [tilespmem:s29+$0xC040]  }
0x6e: {  	v7 =	vadd.f32 v7, v10;
	v10 =	vld [tilespmem:s29+$0xC050]  }
0x6f: {  	v6 =	vadd.f32 v6, v9;
	v9 =	vld [tilespmem:s29+$0xC060]  }
0x70: {  	[tilespmem:s29+$0xC000] =	vst v7;
	v5 =	vadd.f32 v5, v8;
	v7 =	vld [tilespmem:s29+$0xC070]  }
0x71: {  	[tilespmem:s29+$0xC010] =	vst v6;
	v4 =	vadd.f32 v4, v11  }
0x72: {  	v3 =	vadd.f32 v3, v12;
	[tilespmem:s29+$0xC020] =	vst v5  }
0x73: {  	[tilespmem:s29+$0xC030] =	vst v4;
	v2 =	vadd.f32 v2, v10  }
0x74: {  	s0 =	sadd.s32 s28, s5;
	[tilespmem:s29+$0xC040] =	vst v3;
	v1 =	vadd.f32 v1, v9  }
0x75: {  	s0 =	sshll.u32 s0, $0x7;
	[tilespmem:s29+$0xC050] =	vst v2;
	v0 =	vadd.f32 v0, v7  }
0x76: {  	s0 =	sadd.s32 s4, s0;
	[tilespmem:s29+$0xC060] =	vst v1  }
0x77: {  	s0 =	sadd.s32 $0x800, s0;
	[tilespmem:s29+$0xC070] =	vst v0;
	s29 =	simm.s32 $0x0  }
0x78: {  	[hbm4b:s0+s29] =	stream.linear.scatter [tilespmem:s18], [sflag:$0x4], $0x4000, $0x38;
	[tilespmem:$0x10000] =	vst v63  }
0x79: {  	s2 =	sadd.s32 s28, s13;
	_ =	swait.ge [sflag:s22], $0x4000  }
0x7a: {  	s0 =	sshll.u32 s2, $0x7;
	[sflag:s22] =	ssyncset.done $0x0  }
0x7b: {  	s2 =	sadd.s32 s1, s0;
	[sflag:s22] =	ssyncadd.s32 $0xFFFFC000  }
0x7c: {  	[tilespmem:s17], [sflag:$0x2] =	stream.linear.gather [hbm4b:s2+s29], $0x4000, $0x38;
	[tilespmem:$0x10000] =	vst v63  }
0x7d: {  	s0 =	sadd.s32 s0, s6  }
0x7e: {  	[tilespmem:s18], [sflag:$0x2] =	stream.linear.gather [hbm4b:s0+s29], $0x4000, $0x38;
	[tilespmem:$0x10000] =	vst v63  }
0x7f: {  	_ =	swait.ge [sflag:s19], $0x4000  }
0x80: {  	[sflag:s19] =	ssyncset.done $0x0  }
0x81: {  	s8 =	simm.s32 $0x0;
	s31 =	sand.u32 $0x1C00, s29;
	[sflag:s19] =	ssyncadd.s32 $0xFFFFC000  }
0x82: {  	s0 =	sand.u32 $0x2000, s8;
	s8 =	simm.s32 $0x0;
	_ =	swait.ge [sflag:s19], $0x4000  }
0x83: {  	s0 =	sor.u32 s31, s0;
	s31 =	sand.u32 $0x380, s8;
	[sflag:s19] =	ssyncset.done $0x0  }
0x84: {  	s28 =	sor.u32 s31, s0;
	[sflag:s19] =	ssyncadd.s32 $0xFFFFC000  }
0x85: {  	v7 =	vld [tilespmem:s28+$0x0]  }
0x86: {  	v6 =	vld [tilespmem:s28+$0x10]  }
0x87: {  	v5 =	vld [tilespmem:s28+$0x20]  }
0x88: {  	v4 =	vld [tilespmem:s28+$0x30]  }
0x89: {  	v3 =	vld [tilespmem:s28+$0x40]  }
0x8a: {  	v2 =	vld [tilespmem:s28+$0x50]  }
0x8b: {  	v1 =	vld [tilespmem:s28+$0x60]  }
0x8c: {  	v0 =	vld [tilespmem:s28+$0x70]  }
0x8d: {  	v10 =	vld [tilespmem:s28+$0x8000]  }
0x8e: {  	v9 =	vld [tilespmem:s28+$0x8010]  }
0x8f: {  	s30 =	simm.s32 $0x0;
	v8 =	vld [tilespmem:s28+$0x8020]  }
.LBB2_7:
0x90: {  	s30 =	sadd.s32 $0x8, s30;
	v11 =	vld [tilespmem:s28+$0x8030]  }
0x91: {  	s29 =	sadd.s32 $0x400, s29;
	s0 =	sshll.u32 s30, $0x4;
	p0 =	slt.u32 s30, $0x3F8;
	v12 =	vld [tilespmem:s28+$0x8040]  }
0x92: {  	s2 =	sand.u32 $0x1C00, s29;
	s8 =	sshll.u32 s30, $0x1;
	s0 =	sand.u32 $0x2000, s0;
	v7 =	vadd.f32 v7, v10;
	v10 =	vld [tilespmem:s28+$0x8050]  }
0x93: {  	s0 =	sor.u32 s2, s0;
	s2 =	sand.u32 $0x380, s8;
	v6 =	vadd.f32 v6, v9;
	v9 =	vld [tilespmem:s28+$0x8060]  }
0x94: {  	s0 =	sor.u32 s2, s0;
	[tilespmem:s28+$0x8000] =	vst v7;
	v5 =	vadd.f32 v5, v8;
	v8 =	vld [tilespmem:s28+$0x8070]  }
0x95: {  	v7 =	vld [tilespmem:s0+$0x0];
	[tilespmem:s28+$0x8010] =	vst v6;
	v4 =	vadd.f32 v4, v11  }
0x96: {  	v6 =	vld [tilespmem:s0+$0x10];
	[tilespmem:s28+$0x8020] =	vst v5;
	v3 =	vadd.f32 v3, v12  }
0x97: {  	v5 =	vld [tilespmem:s0+$0x20];
	[tilespmem:s28+$0x8030] =	vst v4;
	v2 =	vadd.f32 v2, v10  }
0x98: {  	v4 =	vld [tilespmem:s0+$0x30];
	[tilespmem:s28+$0x8040] =	vst v3;
	v1 =	vadd.f32 v1, v9  }
0x99: {  	v3 =	vld [tilespmem:s0+$0x40];
	[tilespmem:s28+$0x8050] =	vst v2;
	v0 =	vadd.f32 v0, v8  }
0x9a: {  	v2 =	vld [tilespmem:s0+$0x50];
	[tilespmem:s28+$0x8060] =	vst v1  }
.Ltmp2:
0x9b: {  	v1 =	vld [tilespmem:s0+$0x60];
	[tilespmem:s28+$0x8070] =	vst v0;
	s28 =	smov.u32 s0;
	(pc) =	sbr.rel @p0 .LBB2_7-.Ltmp2, $4  }
0x9c: {  	v0 =	vld [tilespmem:s28+$0x70]  }
0x9d: {  	v10 =	vld [tilespmem:s28+$0x8000]  }
0x9e: {  	v9 =	vld [tilespmem:s28+$0x8010]  }
0x9f: {  	v8 =	vld [tilespmem:s28+$0x8020]  }
0xa0: {  	v11 =	vld [tilespmem:s28+$0x8030]  }
0xa1: {  	v12 =	vld [tilespmem:s28+$0x8040]  }
0xa2: {  	v61 =	vld [tilespmem:s28+$0x8050];
	v7 =	vadd.f32 v7, v10  }
0xa3: {  	v62 =	vld [tilespmem:s28+$0x8060];
	v6 =	vadd.f32 v6, v9  }
0xa4: {  	v63 =	vld [tilespmem:s28+$0x8070];
	[tilespmem:s28+$0x8000] =	vst v7;
	v5 =	vadd.f32 v5, v8  }
0xa5: {  	[tilespmem:s28+$0x8010] =	vst v6;
	v4 =	vadd.f32 v4, v11  }
0xa6: {  	s25 =	sadd.s32 $0x1, s25;
	v3 =	vadd.f32 v3, v12;
	[tilespmem:s28+$0x8020] =	vst v5  }
0xa7: {  	p0 =	sne.s32 s25, $0x7;
	v2 =	vadd.f32 v2, v61;
	[tilespmem:s28+$0x8030] =	vst v4  }
.Ltmp3:
0xa8: {  	v1 =	vadd.f32 v1, v62;
	[tilespmem:s28+$0x8040] =	vst v3;
	(pc) =	sbr.rel @p0 .LBB2_4-.Ltmp3, $4  }
0xa9: {  	v0 =	vadd.f32 v0, v63;
	[tilespmem:s28+$0x8050] =	vst v2  }
0xaa: {  	[tilespmem:s28+$0x8060] =	vst v1  }
0xab: {  	s0 =	sadd.s32 s4, s26;
	[tilespmem:s28+$0x8070] =	vst v0  }
0xac: {  	[hbm4b:s0+s3] =	stream.linear.scatter [tilespmem:s16], [sflag:$0x3], $0x4000, $0x38;
	[tilespmem:$0x10000] =	vst v63  }
0xad: {  	_ =	swait.ge [sflag:s20], $0x4000  }
0xae: {  	[sflag:s20] =	ssyncset.done $0x0  }
0xaf: {  	[sflag:s20] =	ssyncadd.s32 $0xFFFFC000  }
0xb0: {  	_ =	swait.ge [sflag:s21], $0x4000  }
0xb1: {  	s25 =	simm.s32 $0x0;
	[sflag:s21] =	ssyncset.done $0x0  }
0xb2: {  	s0 =	simm.s32 $0x0;
	s8 =	simm.s32 $0x0;
	[sflag:s21] =	ssyncadd.s32 $0xFFFFC000  }
0xb3: {  	s0 =	sand.u32 $0x2000, s0;
	s2 =	sand.u32 $0x1C00, s25;
	_ =	swait.ge [sflag:s21], $0x4000  }
0xb4: {  	s31 =	sand.u32 $0x380, s8;
	s0 =	sor.u32 s2, s0;
	[sflag:s21] =	ssyncset.done $0x0  }
0xb5: {  	s24 =	sor.u32 s31, s0;
	[sflag:s21] =	ssyncadd.s32 $0xFFFFC000  }
0xb6: {  	v7 =	vld [tilespmem:s24+$0x4000]  }
0xb7: {  	v6 =	vld [tilespmem:s24+$0x4010]  }
0xb8: {  	v5 =	vld [tilespmem:s24+$0x4020]  }
0xb9: {  	v4 =	vld [tilespmem:s24+$0x4030]  }
0xba: {  	v3 =	vld [tilespmem:s24+$0x4040]  }
0xbb: {  	v2 =	vld [tilespmem:s24+$0x4050]  }
0xbc: {  	v1 =	vld [tilespmem:s24+$0x4060]  }
0xbd: {  	v0 =	vld [tilespmem:s24+$0x4070]  }
0xbe: {  	v10 =	vld [tilespmem:s24+$0xC000]  }
0xbf: {  	v9 =	vld [tilespmem:s24+$0xC010]  }
0xc0: {  	s26 =	simm.s32 $0x0;
	v8 =	vld [tilespmem:s24+$0xC020]  }
.LBB2_10:
0xc1: {  	s26 =	sadd.s32 $0x8, s26;
	v11 =	vld [tilespmem:s24+$0xC030]  }
0xc2: {  	s25 =	sadd.s32 $0x400, s25;
	s0 =	sshll.u32 s26, $0x4;
	p0 =	slt.u32 s26, $0x3F8;
	v12 =	vld [tilespmem:s24+$0xC040]  }
0xc3: {  	s2 =	sand.u32 $0x1C00, s25;
	s8 =	sshll.u32 s26, $0x1;
	s0 =	sand.u32 $0x2000, s0;
	v7 =	vadd.f32 v7, v10;
	v10 =	vld [tilespmem:s24+$0xC050]  }
0xc4: {  	s0 =	sor.u32 s2, s0;
	s2 =	sand.u32 $0x380, s8;
	v6 =	vadd.f32 v6, v9;
	v9 =	vld [tilespmem:s24+$0xC060]  }
0xc5: {  	s0 =	sor.u32 s2, s0;
	[tilespmem:s24+$0xC000] =	vst v7;
	v5 =	vadd.f32 v5, v8;
	v8 =	vld [tilespmem:s24+$0xC070]  }
0xc6: {  	v7 =	vld [tilespmem:s0+$0x4000];
	[tilespmem:s24+$0xC010] =	vst v6;
	v4 =	vadd.f32 v4, v11  }
0xc7: {  	v6 =	vld [tilespmem:s0+$0x4010];
	[tilespmem:s24+$0xC020] =	vst v5;
	v3 =	vadd.f32 v3, v12  }
0xc8: {  	v5 =	vld [tilespmem:s0+$0x4020];
	[tilespmem:s24+$0xC030] =	vst v4;
	v2 =	vadd.f32 v2, v10  }
0xc9: {  	v4 =	vld [tilespmem:s0+$0x4030];
	[tilespmem:s24+$0xC040] =	vst v3;
	v1 =	vadd.f32 v1, v9  }
0xca: {  	v3 =	vld [tilespmem:s0+$0x4040];
	[tilespmem:s24+$0xC050] =	vst v2;
	v0 =	vadd.f32 v0, v8  }
0xcb: {  	v2 =	vld [tilespmem:s0+$0x4050];
	[tilespmem:s24+$0xC060] =	vst v1  }
.Ltmp4:
0xcc: {  	v1 =	vld [tilespmem:s0+$0x4060];
	[tilespmem:s24+$0xC070] =	vst v0;
	s24 =	smov.u32 s0;
	(pc) =	sbr.rel @p0 .LBB2_10-.Ltmp4, $4  }
0xcd: {  	v0 =	vld [tilespmem:s24+$0x4070]  }
0xce: {  	v10 =	vld [tilespmem:s24+$0xC000]  }
0xcf: {  	v9 =	vld [tilespmem:s24+$0xC010]  }
0xd0: {  	v8 =	vld [tilespmem:s24+$0xC020]  }
0xd1: {  	v11 =	vld [tilespmem:s24+$0xC030]  }
0xd2: {  	v12 =	vld [tilespmem:s24+$0xC040]  }
0xd3: {  	v61 =	vld [tilespmem:s24+$0xC050];
	v7 =	vadd.f32 v7, v10  }
0xd4: {  	v62 =	vld [tilespmem:s24+$0xC060];
	v6 =	vadd.f32 v6, v9  }
0xd5: {  	v63 =	vld [tilespmem:s24+$0xC070];
	[tilespmem:s24+$0xC000] =	vst v7;
	v5 =	vadd.f32 v5, v8  }
0xd6: {  	[tilespmem:s24+$0xC010] =	vst v6;
	v4 =	vadd.f32 v4, v11  }
0xd7: {  	v3 =	vadd.f32 v3, v12;
	[tilespmem:s24+$0xC020] =	vst v5  }
0xd8: {  	v2 =	vadd.f32 v2, v61;
	[tilespmem:s24+$0xC030] =	vst v4  }
0xd9: {  	v1 =	vadd.f32 v1, v62;
	[tilespmem:s24+$0xC040] =	vst v3  }
0xda: {  	s23 =	sadd.s32 $0x1, s23;
	v0 =	vadd.f32 v0, v63;
	[tilespmem:s24+$0xC050] =	vst v2  }
0xdb: {  	p0 =	sne.s32 s23, s15;
	[tilespmem:s24+$0xC060] =	vst v1  }
.Ltmp5:
0xdc: {  	[tilespmem:s24+$0xC070] =	vst v0;
	(pc) =	sbr.rel @p0 .LBB2_1-.Ltmp5, $4  }
0xdd: {  	[hbm4b:s14+s3] =	stream.linear.scatter [tilespmem:s18], [sflag:$0x4], $0x4000, $0x38;
	[tilespmem:$0x10000] =	vst v63  }
0xde: {  	_ =	swait.ge [sflag:s22], $0x4000  }
0xdf: {  	[sflag:s22] =	ssyncset.done $0x0  }
0xe0: {  	[sflag:s22] =	ssyncadd.s32 $0xFFFFC000  }
0xe1: {  	_ =	sfence.sel $0x180000  }
0xe2: {  	[bflag:$0x0] =	sbarrier.arrive $0xFFFF  }
0xe3: {  	_ =	strace $0x90000047  }
0xe4: {  	s0 =	stileid.u32;
	[bflag:$0x2] =	sbarrier.arrive $0xFFFF  }
0xe5: {  	p0 =	sne.s32 s0, $0x0;
	s0 =	rddreg [dreg:$0x3]  }
0xe6: {  	s0 =	sadd.s32 @!p0 $0x100000, s0  }
0xe7: {  	[sflag:s0] =	ssyncadd.tile.s32 @!p0 $0x1;
	_ =	shalt  }
.Lfunc_end2:
_tile_overlayer_lowered:
.L_overlay_start_2:
0xe8: {  	(tag) =	ssettag $0x2  }
0xe9: {  	s0 =	rddreg [dreg:$0x0];
	s2 =	stileid.u32  }
0xea: {  	s1 =	rddreg [dreg:$0x1];
	p0 =	sne.s32 s2, $0x0  }
0xeb: {  	s3 =	rddreg [dreg:$0x2];
	[bflag:$0x3] =	sbarrier.arrive $0xFFFF;
	s2 =	simm.s32 @!p0 $0x1C05  }
0xec: {  	[timem:s3], [sflag:s2] =	dma.local @!p0 [hbm:s0], s1  }
0xed: {  	s0 =	simm.s32 @!p0 $0x5  }
0xee: {  	_ =	swait.ge @!p0 [sflag:s0], s1  }
0xef: {  	s1 =	ssub.s32 @!p0 $0x0, s1;
	[sflag:s0] =	ssyncset.done @!p0 $0x0  }
0xf0: {  	[sflag:s0] =	ssyncadd.s32 @!p0 s1  }
0xf1: {  	[bflag:$0x3] =	sbarrier.arrive $0xFFFF  }
0xf2: {  	_ =	shalt  }

</sc_bundles>
